<compile_context>
chip_gen: v7x
topology: tpu7x:2x2x1
jax: 0.10.2.dev20260603
libtpu: 0.0.44.dev20260713+nightly
codegen_flags: <defaults>
</compile_context>

<pallas_src>
import functools

import jax
import jax.numpy as jnp
from jax import lax
from jax.experimental import pallas as pl
from jax.experimental.pallas import tpu as pltpu
from jax.experimental.pallas import tpu_sc as plsc

N = 10000
NDEG = 10240
EROWS = 2500
RPT = 79
NPT = N // 16
D1 = 16
D2 = 40

_MESH = dict(core_axis_name="c", subcore_axis_name="s")
_SC_PARAMS = pltpu.CompilerParams(use_tc_tiling_on_sc=False,
                                  needs_layout_passes=False)


def _tile_rows(wid):
  rb = wid * 78 + jnp.maximum(wid - 28, 0)
  nblk = 78 + (wid >= 28).astype(jnp.int32)
  return rb, nblk


def _make_deg():
  mesh = plsc.VectorSubcoreMesh(**_MESH)

  @functools.partial(
      pl.kernel,
      out_type=jax.ShapeDtypeStruct((2, NDEG), jnp.float32),
      mesh=mesh,
      compiler_params=_SC_PARAMS,
      scratch_types=[
          pltpu.VMEM((RPT, 128), jnp.int32),
          pltpu.VMEM((128,), jnp.float32),
          pltpu.VMEM((NDEG // 16,), jnp.float32),
          pltpu.VMEM_SHARED((NDEG,), jnp.float32),
          pltpu.SemaphoreType.DMA,
      ],
  )
  def deg_kernel(edges_hbm, out_hbm, idx_v, ones_v, zero_v, acc, dsem):
    c = lax.axis_index("c")
    s = lax.axis_index("s")
    wid = c * 16 + s
    rb, nblk = _tile_rows(wid)
    npt = NDEG // 16
    one16 = jnp.full((16,), 1.0, jnp.float32)
    zero16 = jnp.zeros((16,), jnp.float32)
    for i in range(8):
      ones_v[pl.ds(i * 16, 16)] = one16

    def zbody(i, _):
      zero_v[pl.ds(i * 16, 16)] = zero16
      return 0

    lax.fori_loop(0, npt // 16, zbody, 0)
    pltpu.sync_copy(zero_v, acc.at[pl.ds(s * npt, npt)])
    pltpu.sync_copy(edges_hbm.at[pl.ds(rb, RPT), 1], idx_v)
    plsc.subcore_barrier()

    def body(j, _):
      pltpu.async_copy(ones_v, acc.at[idx_v.at[j]], dsem, add=True)
      return 0

    lax.fori_loop(0, nblk, body, 0)

    def drain(j, _):
      pltpu.make_async_copy(ones_v, acc.at[idx_v.at[j]], dsem).wait()
      return 0

    lax.fori_loop(0, nblk, drain, 0)
    plsc.subcore_barrier()
    pltpu.sync_copy(acc.at[pl.ds(s * npt, npt)],
                    out_hbm.at[c, pl.ds(s * npt, npt)])

  return deg_kernel


def _make_pass(d, scaled=False):
  mesh = plsc.VectorSubcoreMesh(**_MESH)
  scratch = [
      pltpu.VMEM((RPT, 128), jnp.int32),
      pltpu.VMEM((RPT, 128), jnp.int32),
      pltpu.VMEM((128, d), jnp.float32),
      pltpu.VMEM((128, d), jnp.float32),
      pltpu.VMEM_SHARED((N, d), jnp.float32),
      pltpu.VMEM_SHARED((N, d), jnp.float32),
      pltpu.SemaphoreType.DMA,
      pltpu.SemaphoreType.DMA,
  ]
  if scaled:
    scratch += [
        pltpu.VMEM((NPT, d), jnp.float32),
        pltpu.VMEM((NPT + 7, ), jnp.float32),
    ]

  def pass_body(hs_hbm, dinv_hbm, edges_hbm, zz_hbm, out_hbm,
                sidx, didx, rows0, rows1, table, acc, sem0, sem1,
                tmp=None, dvec=None):
    c = lax.axis_index("c")
    s = lax.axis_index("s")
    wid = c * 16 + s
    rb, nblk = _tile_rows(wid)
    pltpu.async_copy(zz_hbm, acc.at[pl.ds(s * NPT, NPT)], sem0)
    pltpu.async_copy(edges_hbm.at[pl.ds(rb, RPT), 0], sidx, sem1)
    pltpu.async_copy(edges_hbm.at[pl.ds(rb, RPT), 1], didx, sem1)
    if not scaled:
      pltpu.async_copy(hs_hbm.at[pl.ds(s * NPT, NPT), pl.ds(0, d)],
                       table.at[pl.ds(s * NPT, NPT)], sem0)
      pltpu.make_async_copy(
          hs_hbm.at[pl.ds(s * NPT, NPT), pl.ds(0, d)],
          table.at[pl.ds(s * NPT, NPT)], sem0).wait()
    else:
      pltpu.async_copy(hs_hbm.at[pl.ds(s * NPT, NPT), pl.ds(0, d)], tmp,
                       sem0)
      b8 = s * NPT // 8 * 8
      off = s * NPT - b8
      pltpu.sync_copy(dinv_hbm.at[pl.ds(b8, NPT + 7)], dvec)
      pltpu.make_async_copy(hs_hbm.at[pl.ds(s * NPT, NPT), pl.ds(0, d)],
                            tmp, sem0).wait()

      def scale_row(i, _):
        dv = plsc.load_gather(
            dvec, [jnp.zeros((16,), jnp.int32) + (off + i)])
        tmp[i] = tmp[i] * dv
        return 0

      lax.fori_loop(0, NPT, scale_row, 0)
      pltpu.sync_copy(tmp, table.at[pl.ds(s * NPT, NPT)])
    pltpu.make_async_copy(zz_hbm, acc.at[pl.ds(s * NPT, NPT)], sem0).wait()
    pltpu.make_async_copy(edges_hbm.at[pl.ds(rb, RPT), 0], sidx,
                          sem1).wait()
    pltpu.make_async_copy(edges_hbm.at[pl.ds(rb, RPT), 1], didx,
                          sem1).wait()
    plsc.subcore_barrier()

    pltpu.async_copy(table.at[sidx.at[0]], rows0, sem0)

    def body(i, _):
      b0 = 2 * i
      b1 = 2 * i + 1
      pltpu.async_copy(table.at[sidx.at[b1]], rows1, sem1)
      pltpu.make_async_copy(table.at[sidx.at[b0]], rows0, sem0).wait()
      pltpu.sync_copy(rows0, acc.at[didx.at[b0]], add=True)

      @pl.when(b0 + 2 < nblk)
      def _():
        pltpu.async_copy(table.at[sidx.at[b0 + 2]], rows0, sem0)

      pltpu.make_async_copy(table.at[sidx.at[b1]], rows1, sem1).wait()
      pltpu.sync_copy(rows1, acc.at[didx.at[b1]], add=True)
      return 0

    lax.fori_loop(0, 39, body, 0)

    @pl.when(nblk == RPT)
    def _():
      pltpu.make_async_copy(table.at[sidx.at[RPT - 1]], rows0, sem0).wait()
      pltpu.sync_copy(rows0, acc.at[didx.at[RPT - 1]], add=True)

    plsc.subcore_barrier()
    pltpu.sync_copy(acc.at[pl.ds(s * NPT, NPT)],
                    out_hbm.at[pl.ds(s * NPT, NPT), pl.ds(c * d, d)])

  kern = functools.partial(
      pl.kernel,
      out_type=jax.ShapeDtypeStruct((N, 128), jnp.float32),
      mesh=mesh,
      compiler_params=_SC_PARAMS,
      scratch_types=scratch,
  )
  if scaled:
    return kern(pass_body)

  def body_unscaled(hs_hbm, edges_hbm, zz_hbm, out_hbm, *rest):
    pass_body(hs_hbm, None, edges_hbm, zz_hbm, out_hbm, *rest)

  return kern(body_unscaled)


_deg_call = _make_deg()
_pass16 = _make_pass(D1, scaled=True)
_pass40 = _make_pass(D2)


def _stage_a_body(x_ref, w_ref, o_ref):
  o_ref[:, :D1] = jnp.dot(x_ref[:, :], w_ref[:, :],
                          preferred_element_type=jnp.float32)


def _stage_a(x, w1):
  return pl.pallas_call(
      _stage_a_body,
      out_shape=jax.ShapeDtypeStruct((N, 128), jnp.float32),
  )(x, w1)


def _stage_b_body(p_ref, h_ref, d_ref, b1_ref, w2_ref, o_ref):
  dcol = d_ref[:, :]
  t = ((p_ref[:, :D1] + p_ref[:, D1:2 * D1] + h_ref[:, :D1] * dcol) * dcol
       + b1_ref[:, :])
  t = jnp.maximum(t, 0.0)
  o_ref[:, :D2] = jnp.dot(t, w2_ref[:, :],
                          preferred_element_type=jnp.float32) * dcol


def _stage_b(p1, hs1, dinv_col, b1r, w2):
  return pl.pallas_call(
      _stage_b_body,
      out_shape=jax.ShapeDtypeStruct((N, 128), jnp.float32),
  )(p1, hs1, dinv_col, b1r, w2)


def _stage_c_body(p_ref, h_ref, d_ref, b2_ref, o_ref):
  logits = ((p_ref[:, :D2] + p_ref[:, D2:2 * D2] + h_ref[:, :D2])
            * d_ref[:, :] + b2_ref[:, :])
  m = jnp.max(logits, axis=1, keepdims=True)
  e = jnp.exp(logits - m)
  ssum = jnp.sum(e, axis=1, keepdims=True)
  o_ref[:, :] = (logits - m - jnp.log(ssum)).T


def _stage_c(p2, hs2, dinv_col, b2r):
  return pl.pallas_call(
      _stage_c_body,
      out_shape=jax.ShapeDtypeStruct((D2, N), jnp.float32),
  )(p2, hs2, dinv_col, b2r)


def kernel(x, edge_index, W1, b1, W2, b2):
  edges3 = edge_index.astype(jnp.int32).reshape(2, EROWS, 128).transpose(
      1, 0, 2)

  deg_p = _deg_call(edges3)
  deg = deg_p[0] + deg_p[1] + 1.0
  dinv = lax.rsqrt(deg)
  dinv_col = dinv[:N].reshape(N, 1)
  zz16 = jnp.zeros((NPT, D1), jnp.float32)
  zz40 = jnp.zeros((NPT, D2), jnp.float32)

  h1 = _stage_a(x, W1)
  p1 = _pass16(h1, dinv, edges3, zz16)

  b1r = b1.reshape(1, D1)
  b2r = b2.reshape(1, D2)

  hs2 = _stage_b(p1, h1, dinv_col, b1r, W2)
  p2 = _pass40(hs2, edges3, zz40)
  return _stage_c(p2, hs2, dinv_col, b2r).T

# --- scband reference (transcript-rebuilt; emitter-appended) ---
"""Pipeline reference for scband-gcn-67654324846930 (READ-ONLY COPY).

The authoritative reference and input builder live on the scoring server;
editing this copy changes nothing except your own understanding.
"""

import jax, jax.numpy as jnp
import numpy as np

N = 10000
E = 320000
D_IN = 128
D_HID = 16
N_CLASSES = 40


def setup_inputs(seed: int = 0) -> dict:
    key = jax.random.key(seed)
    k1, k2, k3, k4, k5, k6 = jax.random.split(key, 6)
    x = jax.random.normal(k1, (N, D_IN), dtype=jnp.float32)
    edge_index = jax.random.randint(k2, (2, E), 0, N, dtype=jnp.int64)
    W1 = jax.random.normal(k3, (D_IN, D_HID), dtype=jnp.float32) * 0.05
    b1 = jnp.zeros((D_HID,), dtype=jnp.float32)
    W2 = jax.random.normal(k4, (D_HID, N_CLASSES), dtype=jnp.float32) * 0.05
    b2 = jnp.zeros((N_CLASSES,), dtype=jnp.float32)
    return {"x": x, "edge_index": edge_index, "W1": W1, "b1": b1, "W2": W2, "b2": b2}


def _gcn_layer(x, src, dst, W, b, n_nodes):
    # GCNConv: x' = D^{-1/2} (A + I) D^{-1/2} X W + b  (self-loops already in src/dst)
    h = x @ W
    ones = jnp.ones(src.shape[0], dtype=h.dtype)
    deg = jax.ops.segment_sum(ones, dst, num_segments=n_nodes)
    dinv = jnp.where(deg > 0, jax.lax.rsqrt(deg), 0.0)
    norm = dinv[src] * dinv[dst]
    msgs = h[src] * norm[:, None]
    out = jax.ops.segment_sum(msgs, dst, num_segments=n_nodes)
    return out + b


def reference(x, edge_index, W1, b1, W2, b2):
    n_nodes = x.shape[0]
    loop = jnp.arange(n_nodes, dtype=edge_index.dtype)
    src = jnp.concatenate([edge_index[0], loop])
    dst = jnp.concatenate([edge_index[1], loop])
    h = jax.nn.relu(_gcn_layer(x, src, dst, W1, b1, n_nodes))
    # F.dropout with training=self.training is identity in eval mode
    h = _gcn_layer(h, src, dst, W2, b2, n_nodes)
    return jax.nn.log_softmax(h, axis=1)

if __name__ == "__main__":
    import jax
    _d = setup_inputs()
    print(jax.jit(kernel)(*tuple(_d.values())))

</pallas_src>

<mosaic_0001>
#map = affine_map<(d0, d1) -> (0, 0, 0)>
#map1 = affine_map<(d0, d1) -> (0, 0)>
module attributes {stable_mosaic.version = 14 : i64} {
  func.func @deg_kernel(%arg0: i32, %arg1: i32, %arg2: memref<2500x2x128xi32, #tpu.memory_space<hbm>>, %arg3: memref<2x10240xf32, #tpu.memory_space<hbm>>, %arg4: memref<79x128xi32, #tpu.memory_space<vmem>>, %arg5: memref<128xf32, #tpu.memory_space<vmem>>, %arg6: memref<640xf32, #tpu.memory_space<vmem>>, %arg7: memref<10240xf32, #tpu.memory_space<vmem_shared>>, %arg8: memref<!tpu.dma_semaphore, #tpu.memory_space<semaphore_mem>>) attributes {dimension_semantics = [#tpu.dimension_semantics<core_parallel>, #tpu.dimension_semantics<subcore_parallel>], iteration_bounds = array<i64: 2, 16>, scalar_prefetch = 0 : i64, scratch_operands = 5 : i64, tpu.core_type = #tpu.core_type<sc_vector_subcore>, window_params = [{transform_indices = #map}, {transform_indices = #map1}]} {
    %mul3A = arith.constant 16 : i32
    %mul3A_0 = arith.muli %arg0, %mul3A : i32
    %add3A = arith.addi %mul3A_0, %arg1 : i32
    %mul3A_1 = arith.constant 78 : i32
    %mul3A_2 = arith.muli %add3A, %mul3A_1 : i32
    %sub3A = arith.constant 28 : i32
    %sub3A_3 = arith.subi %add3A, %sub3A : i32
    %max3A = arith.constant 0 : i32
    %max3A_4 = arith.maxsi %sub3A_3, %max3A : i32
    %add3A_5 = arith.addi %mul3A_2, %max3A_4 : i32
    %ge3A = arith.constant 28 : i32
    %ge3A_6 = arith.cmpi sge, %add3A, %ge3A : i32
    %convert_element_type3A = arith.extui %ge3A_6 : i1 to i32
    %add3A_7 = arith.constant 78 : i32
    %add3A_8 = arith.addi %add3A_7, %convert_element_type3A : i32
    %broadcast_in_dim3A = arith.constant 1.000000e+00 : f32
    %broadcast_in_dim3A_9 = vector.broadcast %broadcast_in_dim3A : f32 to vector<16xf32>
    %broadcast_in_dim3A_10 = arith.constant 0.000000e+00 : f32
    %broadcast_in_dim3A_11 = vector.broadcast %broadcast_in_dim3A_10 : f32 to vector<16xf32>
    %swap3A = arith.constant 0 : index
    %swap3A_12 = tpu.vector_load %arg5[%swap3A] {strides = array<i32>} : memref<128xf32, #tpu.memory_space<vmem>>, vector<16xf32>,
    tpu.vector_store %arg5[%swap3A], %broadcast_in_dim3A_9 {strides = array<i32>} : memref<128xf32, #tpu.memory_space<vmem>>, vector<16xf32>,
    %swap3A_13 = arith.constant 16 : index
    %swap3A_14 = tpu.vector_load %arg5[%swap3A_13] {strides = array<i32>} : memref<128xf32, #tpu.memory_space<vmem>>, vector<16xf32>,
    tpu.vector_store %arg5[%swap3A_13], %broadcast_in_dim3A_9 {strides = array<i32>} : memref<128xf32, #tpu.memory_space<vmem>>, vector<16xf32>,
    %swap3A_15 = arith.constant 32 : index
    %swap3A_16 = tpu.vector_load %arg5[%swap3A_15] {strides = array<i32>} : memref<128xf32, #tpu.memory_space<vmem>>, vector<16xf32>,
    tpu.vector_store %arg5[%swap3A_15], %broadcast_in_dim3A_9 {strides = array<i32>} : memref<128xf32, #tpu.memory_space<vmem>>, vector<16xf32>,
    %swap3A_17 = arith.constant 48 : index
    %swap3A_18 = tpu.vector_load %arg5[%swap3A_17] {strides = array<i32>} : memref<128xf32, #tpu.memory_space<vmem>>, vector<16xf32>,
    tpu.vector_store %arg5[%swap3A_17], %broadcast_in_dim3A_9 {strides = array<i32>} : memref<128xf32, #tpu.memory_space<vmem>>, vector<16xf32>,
    %swap3A_19 = arith.constant 64 : index
    %swap3A_20 = tpu.vector_load %arg5[%swap3A_19] {strides = array<i32>} : memref<128xf32, #tpu.memory_space<vmem>>, vector<16xf32>,
    tpu.vector_store %arg5[%swap3A_19], %broadcast_in_dim3A_9 {strides = array<i32>} : memref<128xf32, #tpu.memory_space<vmem>>, vector<16xf32>,
    %swap3A_21 = arith.constant 80 : index
    %swap3A_22 = tpu.vector_load %arg5[%swap3A_21] {strides = array<i32>} : memref<128xf32, #tpu.memory_space<vmem>>, vector<16xf32>,
    tpu.vector_store %arg5[%swap3A_21], %broadcast_in_dim3A_9 {strides = array<i32>} : memref<128xf32, #tpu.memory_space<vmem>>, vector<16xf32>,
    %swap3A_23 = arith.constant 96 : index
    %swap3A_24 = tpu.vector_load %arg5[%swap3A_23] {strides = array<i32>} : memref<128xf32, #tpu.memory_space<vmem>>, vector<16xf32>,
    tpu.vector_store %arg5[%swap3A_23], %broadcast_in_dim3A_9 {strides = array<i32>} : memref<128xf32, #tpu.memory_space<vmem>>, vector<16xf32>,
    %swap3A_25 = arith.constant 112 : index
    %swap3A_26 = tpu.vector_load %arg5[%swap3A_25] {strides = array<i32>} : memref<128xf32, #tpu.memory_space<vmem>>, vector<16xf32>,
    tpu.vector_store %arg5[%swap3A_25], %broadcast_in_dim3A_9 {strides = array<i32>} : memref<128xf32, #tpu.memory_space<vmem>>, vector<16xf32>,
    %scan3A = arith.constant 0 : i32
    %scan3A_27 = arith.constant 0 : i32
    %scan3A_28 = arith.constant 40 : i32
    %scan3A_29 = arith.addi %scan3A_27, %scan3A_28 : i32
    %scan3A_30 = arith.constant 1 : i32
    %scan3A_31 = scf.for %scan3A_63 = %scan3A_27 to %scan3A_29 step %scan3A_30 iter_args(%scan3A_64 = %scan3A) -> (i32)  : i32 {
      %mul3A_65 = arith.constant 16 : i32
      %mul3A_66 = arith.muli %scan3A_63, %mul3A_65 : i32
      %swap3A_67 = arith.index_cast %mul3A_66 : i32 to index
      %swap3A_68 = tpu.vector_load %arg6[%swap3A_67] {strides = array<i32>} : memref<640xf32, #tpu.memory_space<vmem>>, vector<16xf32>,
      tpu.vector_store %arg6[%swap3A_67], %broadcast_in_dim3A_11 {strides = array<i32>} : memref<640xf32, #tpu.memory_space<vmem>>, vector<16xf32>,
      %scan3A_69 = arith.constant 0 : i32
      scf.yield %scan3A_69 : i32
    }
    %scan3A_32 = arith.constant 40 : i32
    %mul3A_33 = arith.constant 640 : i32
    %mul3A_34 = arith.muli %arg1, %mul3A_33 : i32
    "tpu.region"() ({
      %run_scoped3A_63 = tpu.sem_alloc : memref<!tpu.dma_semaphore, #tpu.memory_space<semaphore_mem>>
      %dma_start3A = tpu.memref_slice %arg7[%mul3A_34] : memref<10240xf32, #tpu.memory_space<vmem_shared>> -> memref<640xf32, #tpu.memory_space<vmem_shared>>
      %dma_start3A_64 = tpu.memref_slice %arg7[%mul3A_34] : memref<10240xf32, #tpu.memory_space<vmem_shared>> -> memref<640xf32, #tpu.memory_space<vmem_shared>>
      tpu.enqueue_dma source(%arg6 : memref<640xf32, #tpu.memory_space<vmem>>) target(%dma_start3A_64 : memref<640xf32, #tpu.memory_space<vmem_shared>>) target_semaphore(%run_scoped3A_63 : memref<!tpu.dma_semaphore, #tpu.memory_space<semaphore_mem>>)
      %dma_wait3A = tpu.memref_slice %arg7[%mul3A_34] : memref<10240xf32, #tpu.memory_space<vmem_shared>> -> memref<640xf32, #tpu.memory_space<vmem_shared>>
      %dma_wait3A_65 = tpu.memref_slice %arg7[%mul3A_34] : memref<10240xf32, #tpu.memory_space<vmem_shared>> -> memref<640xf32, #tpu.memory_space<vmem_shared>>
      tpu.wait_dma2 semaphore(%run_scoped3A_63 : memref<!tpu.dma_semaphore, #tpu.memory_space<semaphore_mem>>) src(%arg6 : memref<640xf32, #tpu.memory_space<vmem>>) dst(%dma_wait3A_65 : memref<640xf32, #tpu.memory_space<vmem_shared>>)
      tpu.yield
    }) : () -> ()
    %run_scoped3A = arith.constant 1 : i32
    "tpu.region"() ({
      %run_scoped3A_63 = tpu.sem_alloc : memref<!tpu.dma_semaphore, #tpu.memory_space<semaphore_mem>>
      %dma_start3A = arith.constant 0 : i32
      %dma_start3A_64 = tpu.memref_slice %arg2[%add3A_5, %run_scoped3A, %dma_start3A] : memref<2500x2x128xi32, #tpu.memory_space<hbm>> -> memref<79x1x128xi32, #tpu.memory_space<hbm>>
      %dma_start3A_65 = tpu.memref_squeeze %dma_start3A_64 : memref<79x1x128xi32, #tpu.memory_space<hbm>> -> memref<79x128xi32, #tpu.memory_space<hbm>>
      %dma_start3A_66 = arith.constant 0 : i32
      %dma_start3A_67 = tpu.memref_slice %arg2[%add3A_5, %run_scoped3A, %dma_start3A_66] : memref<2500x2x128xi32, #tpu.memory_space<hbm>> -> memref<79x1x128xi32, #tpu.memory_space<hbm>>
      %dma_start3A_68 = tpu.memref_squeeze %dma_start3A_67 : memref<79x1x128xi32, #tpu.memory_space<hbm>> -> memref<79x128xi32, #tpu.memory_space<hbm>>
      tpu.enqueue_dma source(%dma_start3A_68 : memref<79x128xi32, #tpu.memory_space<hbm>>) target(%arg4 : memref<79x128xi32, #tpu.memory_space<vmem>>) target_semaphore(%run_scoped3A_63 : memref<!tpu.dma_semaphore, #tpu.memory_space<semaphore_mem>>)
      %dma_wait3A = arith.constant 0 : i32
      %dma_wait3A_69 = tpu.memref_slice %arg2[%add3A_5, %run_scoped3A, %dma_wait3A] : memref<2500x2x128xi32, #tpu.memory_space<hbm>> -> memref<79x1x128xi32, #tpu.memory_space<hbm>>
      %dma_wait3A_70 = tpu.memref_squeeze %dma_wait3A_69 : memref<79x1x128xi32, #tpu.memory_space<hbm>> -> memref<79x128xi32, #tpu.memory_space<hbm>>
      %dma_wait3A_71 = arith.constant 0 : i32
      %dma_wait3A_72 = tpu.memref_slice %arg2[%add3A_5, %run_scoped3A, %dma_wait3A_71] : memref<2500x2x128xi32, #tpu.memory_space<hbm>> -> memref<79x1x128xi32, #tpu.memory_space<hbm>>
      %dma_wait3A_73 = tpu.memref_squeeze %dma_wait3A_72 : memref<79x1x128xi32, #tpu.memory_space<hbm>> -> memref<79x128xi32, #tpu.memory_space<hbm>>
      tpu.wait_dma2 semaphore(%run_scoped3A_63 : memref<!tpu.dma_semaphore, #tpu.memory_space<semaphore_mem>>) src(%dma_wait3A_73 : memref<79x128xi32, #tpu.memory_space<hbm>>) dst(%arg4 : memref<79x128xi32, #tpu.memory_space<vmem>>)
      tpu.yield
    }) : () -> ()
    %barrier3A = arith.constant 0 : index
    tpu.barrier barrier_id(%barrier3A)
    %while3A = arith.constant 0 : i32
    %while3A_35 = arith.constant 0 : i32
    %while3A_36 = arith.subi %add3A_8, %while3A : i32
    %while3A_37 = arith.addi %while3A, %while3A_36 : i32
    %while3A_38 = arith.constant 1 : i32
    %while3A_39 = arith.divsi %while3A_36, %while3A_38 : i32
    %while3A_40 = arith.muli %while3A_39, %while3A_38 : i32
    %while3A_41 = arith.addi %while3A, %while3A_40 : i32
    %while3A_42 = arith.constant 1 : i32
    %while3A_43 = scf.for %while3A_63 = %while3A to %while3A_41 step %while3A_42 iter_args(%while3A_64 = %while3A_35) -> (i32)  : i32 {
      %dma_start3A = arith.constant 0 : i32
      %dma_start3A_65 = tpu.memref_slice %arg4[%while3A_63, %dma_start3A] : memref<79x128xi32, #tpu.memory_space<vmem>> -> memref<1x128xi32, #tpu.memory_space<vmem>>
      %dma_start3A_66 = tpu.memref_squeeze %dma_start3A_65 : memref<1x128xi32, #tpu.memory_space<vmem>> -> memref<128xi32, #tpu.memory_space<vmem>>
      %dma_start3A_67 = arith.constant 0 : i32
      %dma_start3A_68 = tpu.memref_slice %arg7[%dma_start3A_67] : memref<10240xf32, #tpu.memory_space<vmem_shared>> -> memref<10240xf32, #tpu.memory_space<vmem_shared>>
      tpu.enqueue_indirect_dma source(%arg5 : memref<128xf32, #tpu.memory_space<vmem>>) target(%dma_start3A_68 : memref<10240xf32, #tpu.memory_space<vmem_shared>>) offsets(%dma_start3A_66 : memref<128xi32, #tpu.memory_space<vmem>>) semaphore(%arg8 : memref<!tpu.dma_semaphore, #tpu.memory_space<semaphore_mem>>) {add = true}
      %while3A_69 = arith.constant 0 : i32
      scf.yield %while3A_69 : i32
    }
    %while3A_44 = arith.constant 1 : i32
    %while3A_45 = scf.for %while3A_63 = %while3A_41 to %while3A_37 step %while3A_44 iter_args(%while3A_64 = %while3A_43) -> (i32)  : i32 {
      %dma_start3A = arith.constant 0 : i32
      %dma_start3A_65 = tpu.memref_slice %arg4[%while3A_63, %dma_start3A] : memref<79x128xi32, #tpu.memory_space<vmem>> -> memref<1x128xi32, #tpu.memory_space<vmem>>
      %dma_start3A_66 = tpu.memref_squeeze %dma_start3A_65 : memref<1x128xi32, #tpu.memory_space<vmem>> -> memref<128xi32, #tpu.memory_space<vmem>>
      %dma_start3A_67 = arith.constant 0 : i32
      %dma_start3A_68 = tpu.memref_slice %arg7[%dma_start3A_67] : memref<10240xf32, #tpu.memory_space<vmem_shared>> -> memref<10240xf32, #tpu.memory_space<vmem_shared>>
      tpu.enqueue_indirect_dma source(%arg5 : memref<128xf32, #tpu.memory_space<vmem>>) target(%dma_start3A_68 : memref<10240xf32, #tpu.memory_space<vmem_shared>>) offsets(%dma_start3A_66 : memref<128xi32, #tpu.memory_space<vmem>>) semaphore(%arg8 : memref<!tpu.dma_semaphore, #tpu.memory_space<semaphore_mem>>) {add = true}
      %while3A_69 = arith.constant 0 : i32
      scf.yield %while3A_69 : i32
    }
    %while3A_46 = arith.constant 0 : i32
    %while3A_47 = arith.constant 0 : i32
    %while3A_48 = arith.subi %add3A_8, %while3A_46 : i32
    %while3A_49 = arith.addi %while3A_46, %while3A_48 : i32
    %while3A_50 = arith.constant 1 : i32
    %while3A_51 = arith.divsi %while3A_48, %while3A_50 : i32
    %while3A_52 = arith.muli %while3A_51, %while3A_50 : i32
    %while3A_53 = arith.addi %while3A_46, %while3A_52 : i32
    %while3A_54 = arith.constant 1 : i32
    %while3A_55 = scf.for %while3A_63 = %while3A_46 to %while3A_53 step %while3A_54 iter_args(%while3A_64 = %while3A_47) -> (i32)  : i32 {
      %dma_wait3A = arith.constant 0 : i32
      %dma_wait3A_65 = tpu.memref_slice %arg4[%while3A_63, %dma_wait3A] : memref<79x128xi32, #tpu.memory_space<vmem>> -> memref<1x128xi32, #tpu.memory_space<vmem>>
      %dma_wait3A_66 = tpu.memref_squeeze %dma_wait3A_65 : memref<1x128xi32, #tpu.memory_space<vmem>> -> memref<128xi32, #tpu.memory_space<vmem>>
      %dma_wait3A_67 = arith.constant 0 : i32
      %dma_wait3A_68 = tpu.memref_slice %arg7[%dma_wait3A_67] : memref<10240xf32, #tpu.memory_space<vmem_shared>> -> memref<10240xf32, #tpu.memory_space<vmem_shared>>
      tpu.wait_indirect_dma semaphore(%arg8 : memref<!tpu.dma_semaphore, #tpu.memory_space<semaphore_mem>>) src(%arg5 : memref<128xf32, #tpu.memory_space<vmem>>) dst(%dma_wait3A_68 : memref<10240xf32, #tpu.memory_space<vmem_shared>>)
      %while3A_69 = arith.constant 0 : i32
      scf.yield %while3A_69 : i32
    }
    %while3A_56 = arith.constant 1 : i32
    %while3A_57 = scf.for %while3A_63 = %while3A_53 to %while3A_49 step %while3A_56 iter_args(%while3A_64 = %while3A_55) -> (i32)  : i32 {
      %dma_wait3A = arith.constant 0 : i32
      %dma_wait3A_65 = tpu.memref_slice %arg4[%while3A_63, %dma_wait3A] : memref<79x128xi32, #tpu.memory_space<vmem>> -> memref<1x128xi32, #tpu.memory_space<vmem>>
      %dma_wait3A_66 = tpu.memref_squeeze %dma_wait3A_65 : memref<1x128xi32, #tpu.memory_space<vmem>> -> memref<128xi32, #tpu.memory_space<vmem>>
      %dma_wait3A_67 = arith.constant 0 : i32
      %dma_wait3A_68 = tpu.memref_slice %arg7[%dma_wait3A_67] : memref<10240xf32, #tpu.memory_space<vmem_shared>> -> memref<10240xf32, #tpu.memory_space<vmem_shared>>
      tpu.wait_indirect_dma semaphore(%arg8 : memref<!tpu.dma_semaphore, #tpu.memory_space<semaphore_mem>>) src(%arg5 : memref<128xf32, #tpu.memory_space<vmem>>) dst(%dma_wait3A_68 : memref<10240xf32, #tpu.memory_space<vmem_shared>>)
      %while3A_69 = arith.constant 0 : i32
      scf.yield %while3A_69 : i32
    }
    %barrier3A_58 = arith.constant 0 : index
    tpu.barrier barrier_id(%barrier3A_58)
    %mul3A_59 = arith.constant 640 : i32
    %mul3A_60 = arith.muli %arg1, %mul3A_59 : i32
    %mul3A_61 = arith.constant 640 : i32
    %mul3A_62 = arith.muli %arg1, %mul3A_61 : i32
    "tpu.region"() ({
      %run_scoped3A_63 = tpu.sem_alloc : memref<!tpu.dma_semaphore, #tpu.memory_space<semaphore_mem>>
      %dma_start3A = tpu.memref_slice %arg3[%arg0, %mul3A_62] : memref<2x10240xf32, #tpu.memory_space<hbm>> -> memref<1x640xf32, #tpu.memory_space<hbm>>
      %dma_start3A_64 = tpu.memref_squeeze %dma_start3A : memref<1x640xf32, #tpu.memory_space<hbm>> -> memref<640xf32, #tpu.memory_space<hbm>>
      %dma_start3A_65 = tpu.memref_slice %arg7[%mul3A_60] : memref<10240xf32, #tpu.memory_space<vmem_shared>> -> memref<640xf32, #tpu.memory_space<vmem_shared>>
      tpu.enqueue_dma source(%dma_start3A_65 : memref<640xf32, #tpu.memory_space<vmem_shared>>) target(%dma_start3A_64 : memref<640xf32, #tpu.memory_space<hbm>>) target_semaphore(%run_scoped3A_63 : memref<!tpu.dma_semaphore, #tpu.memory_space<semaphore_mem>>)
      %dma_wait3A = tpu.memref_slice %arg3[%arg0, %mul3A_62] : memref<2x10240xf32, #tpu.memory_space<hbm>> -> memref<1x640xf32, #tpu.memory_space<hbm>>
      %dma_wait3A_66 = tpu.memref_squeeze %dma_wait3A : memref<1x640xf32, #tpu.memory_space<hbm>> -> memref<640xf32, #tpu.memory_space<hbm>>
      %dma_wait3A_67 = tpu.memref_slice %arg7[%mul3A_60] : memref<10240xf32, #tpu.memory_space<vmem_shared>> -> memref<640xf32, #tpu.memory_space<vmem_shared>>
      tpu.wait_dma2 semaphore(%run_scoped3A_63 : memref<!tpu.dma_semaphore, #tpu.memory_space<semaphore_mem>>) src(%dma_wait3A_67 : memref<640xf32, #tpu.memory_space<vmem_shared>>) dst(%dma_wait3A_66 : memref<640xf32, #tpu.memory_space<hbm>>)
      tpu.yield
    }) : () -> ()
    return
  }
}

#map = affine_map<(d0, d1) -> (0, 0)>
#map1 = affine_map<(d0, d1) -> (0)>
#map2 = affine_map<(d0, d1) -> (0, 0, 0)>
module attributes {stable_mosaic.version = 14 : i64} {
  func.func @pass_body(%arg0: i32, %arg1: i32, %arg2: memref<10000x128xf32, #tpu.memory_space<hbm>>, %arg3: memref<10240xf32, #tpu.memory_space<hbm>>, %arg4: memref<2500x2x128xi32, #tpu.memory_space<hbm>>, %arg5: memref<625x16xf32, #tpu.memory_space<hbm>>, %arg6: memref<10000x128xf32, #tpu.memory_space<hbm>>, %arg7: memref<79x128xi32, #tpu.memory_space<vmem>>, %arg8: memref<79x128xi32, #tpu.memory_space<vmem>>, %arg9: memref<128x16xf32, #tpu.memory_space<vmem>>, %arg10: memref<128x16xf32, #tpu.memory_space<vmem>>, %arg11: memref<10000x16xf32, #tpu.memory_space<vmem_shared>>, %arg12: memref<10000x16xf32, #tpu.memory_space<vmem_shared>>, %arg13: memref<!tpu.dma_semaphore, #tpu.memory_space<semaphore_mem>>, %arg14: memref<!tpu.dma_semaphore, #tpu.memory_space<semaphore_mem>>, %arg15: memref<625x16xf32, #tpu.memory_space<vmem>>, %arg16: memref<632xf32, #tpu.memory_space<vmem>>) attributes {dimension_semantics = [#tpu.dimension_semantics<core_parallel>, #tpu.dimension_semantics<subcore_parallel>], iteration_bounds = array<i64: 2, 16>, scalar_prefetch = 0 : i64, scratch_operands = 10 : i64, tpu.core_type = #tpu.core_type<sc_vector_subcore>, window_params = [{transform_indices = #map}, {transform_indices = #map1}, {transform_indices = #map2}, {transform_indices = #map}, {transform_indices = #map}]} {
    %mul3A = arith.constant 16 : i32
    %mul3A_0 = arith.muli %arg0, %mul3A : i32
    %add3A = arith.addi %mul3A_0, %arg1 : i32
    %mul3A_1 = arith.constant 78 : i32
    %mul3A_2 = arith.muli %add3A, %mul3A_1 : i32
    %sub3A = arith.constant 28 : i32
    %sub3A_3 = arith.subi %add3A, %sub3A : i32
    %max3A = arith.constant 0 : i32
    %max3A_4 = arith.maxsi %sub3A_3, %max3A : i32
    %add3A_5 = arith.addi %mul3A_2, %max3A_4 : i32
    %ge3A = arith.constant 28 : i32
    %ge3A_6 = arith.cmpi sge, %add3A, %ge3A : i32
    %convert_element_type3A = arith.extui %ge3A_6 : i1 to i32
    %add3A_7 = arith.constant 78 : i32
    %add3A_8 = arith.addi %add3A_7, %convert_element_type3A : i32
    %mul3A_9 = arith.constant 625 : i32
    %mul3A_10 = arith.muli %arg1, %mul3A_9 : i32
    %dma_start3A = arith.constant 0 : i32
    %dma_start3A_11 = tpu.memref_slice %arg12[%mul3A_10, %dma_start3A] : memref<10000x16xf32, #tpu.memory_space<vmem_shared>> -> memref<625x16xf32, #tpu.memory_space<vmem_shared>>
    tpu.enqueue_dma source(%arg5 : memref<625x16xf32, #tpu.memory_space<hbm>>) target(%dma_start3A_11 : memref<625x16xf32, #tpu.memory_space<vmem_shared>>) target_semaphore(%arg13 : memref<!tpu.dma_semaphore, #tpu.memory_space<semaphore_mem>>)
    %dma_start3A_12 = arith.constant 0 : i32
    %dma_start3A_13 = arith.constant 0 : i32
    %dma_start3A_14 = tpu.memref_slice %arg4[%add3A_5, %dma_start3A_12, %dma_start3A_13] : memref<2500x2x128xi32, #tpu.memory_space<hbm>> -> memref<79x1x128xi32, #tpu.memory_space<hbm>>
    %dma_start3A_15 = tpu.memref_squeeze %dma_start3A_14 : memref<79x1x128xi32, #tpu.memory_space<hbm>> -> memref<79x128xi32, #tpu.memory_space<hbm>>
    %dma_start3A_16 = arith.constant 0 : i32
    %dma_start3A_17 = tpu.memref_slice %arg4[%add3A_5, %dma_start3A_12, %dma_start3A_16] : memref<2500x2x128xi32, #tpu.memory_space<hbm>> -> memref<79x1x128xi32, #tpu.memory_space<hbm>>
    %dma_start3A_18 = tpu.memref_squeeze %dma_start3A_17 : memref<79x1x128xi32, #tpu.memory_space<hbm>> -> memref<79x128xi32, #tpu.memory_space<hbm>>
    tpu.enqueue_dma source(%dma_start3A_18 : memref<79x128xi32, #tpu.memory_space<hbm>>) target(%arg7 : memref<79x128xi32, #tpu.memory_space<vmem>>) target_semaphore(%arg14 : memref<!tpu.dma_semaphore, #tpu.memory_space<semaphore_mem>>)
    %dma_start3A_19 = arith.constant 1 : i32
    %dma_start3A_20 = arith.constant 0 : i32
    %dma_start3A_21 = tpu.memref_slice %arg4[%add3A_5, %dma_start3A_19, %dma_start3A_20] : memref<2500x2x128xi32, #tpu.memory_space<hbm>> -> memref<79x1x128xi32, #tpu.memory_space<hbm>>
    %dma_start3A_22 = tpu.memref_squeeze %dma_start3A_21 : memref<79x1x128xi32, #tpu.memory_space<hbm>> -> memref<79x128xi32, #tpu.memory_space<hbm>>
    %dma_start3A_23 = arith.constant 0 : i32
    %dma_start3A_24 = tpu.memref_slice %arg4[%add3A_5, %dma_start3A_19, %dma_start3A_23] : memref<2500x2x128xi32, #tpu.memory_space<hbm>> -> memref<79x1x128xi32, #tpu.memory_space<hbm>>
    %dma_start3A_25 = tpu.memref_squeeze %dma_start3A_24 : memref<79x1x128xi32, #tpu.memory_space<hbm>> -> memref<79x128xi32, #tpu.memory_space<hbm>>
    tpu.enqueue_dma source(%dma_start3A_25 : memref<79x128xi32, #tpu.memory_space<hbm>>) target(%arg8 : memref<79x128xi32, #tpu.memory_space<vmem>>) target_semaphore(%arg14 : memref<!tpu.dma_semaphore, #tpu.memory_space<semaphore_mem>>)
    %mul3A_26 = arith.constant 625 : i32
    %mul3A_27 = arith.muli %arg1, %mul3A_26 : i32
    %dma_start3A_28 = arith.constant 0 : i32
    %dma_start3A_29 = tpu.memref_slice %arg2[%mul3A_27, %dma_start3A_28] : memref<10000x128xf32, #tpu.memory_space<hbm>> -> memref<625x16xf32, #tpu.memory_space<hbm>>
    %dma_start3A_30 = arith.constant 0 : i32
    %dma_start3A_31 = tpu.memref_slice %arg2[%mul3A_27, %dma_start3A_30] : memref<10000x128xf32, #tpu.memory_space<hbm>> -> memref<625x16xf32, #tpu.memory_space<hbm>>
    tpu.enqueue_dma source(%dma_start3A_31 : memref<625x16xf32, #tpu.memory_space<hbm>>) target(%arg15 : memref<625x16xf32, #tpu.memory_space<vmem>>) target_semaphore(%arg13 : memref<!tpu.dma_semaphore, #tpu.memory_space<semaphore_mem>>)
    %mul3A_32 = arith.constant 625 : i32
    %mul3A_33 = arith.muli %arg1, %mul3A_32 : i32
    %jit3A = arith.constant 8 : i32
    %div3A = arith.divsi %mul3A_33, %jit3A : i32
    %sign3A = arith.constant 0 : i32
    %sign3A_34 = arith.cmpi sgt, %mul3A_33, %sign3A : i32
    %sign3A_35 = arith.extui %sign3A_34 : i1 to i32
    %sign3A_36 = arith.constant 0 : i32
    %sign3A_37 = arith.cmpi slt, %mul3A_33, %sign3A_36 : i32
    %sign3A_38 = arith.extui %sign3A_37 : i1 to i32
    %sign3A_39 = arith.subi %sign3A_35, %sign3A_38 : i32
    %sign3A_40 = arith.constant 0 : i32
    %sign3A_41 = arith.cmpi sgt, %jit3A, %sign3A_40 : i32
    %sign3A_42 = arith.extui %sign3A_41 : i1 to i32
    %sign3A_43 = arith.constant 0 : i32
    %sign3A_44 = arith.cmpi slt, %jit3A, %sign3A_43 : i32
    %sign3A_45 = arith.extui %sign3A_44 : i1 to i32
    %sign3A_46 = arith.subi %sign3A_42, %sign3A_45 : i32
    %ne3A = arith.cmpi ne, %sign3A_39, %sign3A_46 : i32
    %rem3A = arith.remsi %mul3A_33, %jit3A : i32
    %ne3A_47 = arith.constant 0 : i32
    %ne3A_48 = arith.cmpi ne, %rem3A, %ne3A_47 : i32
    %and3A = arith.andi %ne3A, %ne3A_48 : i1
    %sub3A_49 = arith.constant 1 : i32
    %sub3A_50 = arith.subi %div3A, %sub3A_49 : i32
    %select_n3A = arith.select %and3A, %sub3A_50, %div3A : i32
    %mul3A_51 = arith.constant 8 : i32
    %mul3A_52 = arith.muli %select_n3A, %mul3A_51 : i32
    %mul3A_53 = arith.constant 625 : i32
    %mul3A_54 = arith.muli %arg1, %mul3A_53 : i32
    %sub3A_55 = arith.subi %mul3A_54, %mul3A_52 : i32
    "tpu.region"() ({
      %run_scoped3A = tpu.sem_alloc : memref<!tpu.dma_semaphore, #tpu.memory_space<semaphore_mem>>
      %dma_start3A_111 = tpu.memref_slice %arg3[%mul3A_52] : memref<10240xf32, #tpu.memory_space<hbm>> -> memref<632xf32, #tpu.memory_space<hbm>>
      %dma_start3A_112 = tpu.memref_slice %arg3[%mul3A_52] : memref<10240xf32, #tpu.memory_space<hbm>> -> memref<632xf32, #tpu.memory_space<hbm>>
      tpu.enqueue_dma source(%dma_start3A_112 : memref<632xf32, #tpu.memory_space<hbm>>) target(%arg16 : memref<632xf32, #tpu.memory_space<vmem>>) target_semaphore(%run_scoped3A : memref<!tpu.dma_semaphore, #tpu.memory_space<semaphore_mem>>)
      %dma_wait3A_113 = tpu.memref_slice %arg3[%mul3A_52] : memref<10240xf32, #tpu.memory_space<hbm>> -> memref<632xf32, #tpu.memory_space<hbm>>
      %dma_wait3A_114 = tpu.memref_slice %arg3[%mul3A_52] : memref<10240xf32, #tpu.memory_space<hbm>> -> memref<632xf32, #tpu.memory_space<hbm>>
      tpu.wait_dma2 semaphore(%run_scoped3A : memref<!tpu.dma_semaphore, #tpu.memory_space<semaphore_mem>>) src(%dma_wait3A_114 : memref<632xf32, #tpu.memory_space<hbm>>) dst(%arg16 : memref<632xf32, #tpu.memory_space<vmem>>)
      tpu.yield
    }) : () -> ()
    %mul3A_56 = arith.constant 625 : i32
    %mul3A_57 = arith.muli %arg1, %mul3A_56 : i32
    %dma_wait3A = arith.constant 0 : i32
    %dma_wait3A_58 = tpu.memref_slice %arg2[%mul3A_57, %dma_wait3A] : memref<10000x128xf32, #tpu.memory_space<hbm>> -> memref<625x16xf32, #tpu.memory_space<hbm>>
    %dma_wait3A_59 = arith.constant 0 : i32
    %dma_wait3A_60 = tpu.memref_slice %arg2[%mul3A_57, %dma_wait3A_59] : memref<10000x128xf32, #tpu.memory_space<hbm>> -> memref<625x16xf32, #tpu.memory_space<hbm>>
    tpu.wait_dma2 semaphore(%arg13 : memref<!tpu.dma_semaphore, #tpu.memory_space<semaphore_mem>>) src(%dma_wait3A_60 : memref<625x16xf32, #tpu.memory_space<hbm>>) dst(%arg15 : memref<625x16xf32, #tpu.memory_space<vmem>>)
    %scan3A = arith.constant 0 : i32
    %scan3A_61 = arith.constant 0 : i32
    %scan3A_62 = arith.constant 625 : i32
    %scan3A_63 = arith.addi %scan3A_61, %scan3A_62 : i32
    %scan3A_64 = arith.constant 1 : i32
    %scan3A_65 = scf.for %scan3A_111 = %scan3A_61 to %scan3A_63 step %scan3A_64 iter_args(%scan3A_112 = %scan3A) -> (i32)  : i32 {
      %broadcast_in_dim3A = arith.constant 0 : i32
      %broadcast_in_dim3A_113 = vector.broadcast %broadcast_in_dim3A : i32 to vector<16xi32>
      %add3A_114 = arith.addi %sub3A_55, %scan3A_111 : i32
      %add3A_115 = vector.broadcast %add3A_114 : i32 to vector<16xi32>
      %add3A_116 = arith.addi %broadcast_in_dim3A_113, %add3A_115 : vector<16xi32>
      %gather3A = tpu.vector_load_idx %arg16[%add3A_116] : memref<632xf32, #tpu.memory_space<vmem>>[vector<16xi32>], vector<16xf32>,
      %get3A = arith.index_cast %scan3A_111 : i32 to index
      %get3A_117 = arith.constant 0 : index
      %get3A_118 = tpu.vector_load %arg15[%get3A, %get3A_117] {strides = array<i32>} : memref<625x16xf32, #tpu.memory_space<vmem>>, vector<16xf32>,
      %mul3A_119 = arith.mulf %get3A_118, %gather3A : vector<16xf32>
      %swap3A = arith.index_cast %scan3A_111 : i32 to index
      %swap3A_120 = arith.constant 0 : index
      %swap3A_121 = tpu.vector_load %arg15[%swap3A, %swap3A_120] {strides = array<i32>} : memref<625x16xf32, #tpu.memory_space<vmem>>, vector<16xf32>,
      tpu.vector_store %arg15[%swap3A, %swap3A_120], %mul3A_119 {strides = array<i32>} : memref<625x16xf32, #tpu.memory_space<vmem>>, vector<16xf32>,
      %scan3A_122 = arith.constant 0 : i32
      scf.yield %scan3A_122 : i32
    }
    %scan3A_66 = arith.constant 625 : i32
    %mul3A_67 = arith.constant 625 : i32
    %mul3A_68 = arith.muli %arg1, %mul3A_67 : i32
    "tpu.region"() ({
      %run_scoped3A = tpu.sem_alloc : memref<!tpu.dma_semaphore, #tpu.memory_space<semaphore_mem>>
      %dma_start3A_111 = arith.constant 0 : i32
      %dma_start3A_112 = tpu.memref_slice %arg11[%mul3A_68, %dma_start3A_111] : memref<10000x16xf32, #tpu.memory_space<vmem_shared>> -> memref<625x16xf32, #tpu.memory_space<vmem_shared>>
      %dma_start3A_113 = arith.constant 0 : i32
      %dma_start3A_114 = tpu.memref_slice %arg11[%mul3A_68, %dma_start3A_113] : memref<10000x16xf32, #tpu.memory_space<vmem_shared>> -> memref<625x16xf32, #tpu.memory_space<vmem_shared>>
      tpu.enqueue_dma source(%arg15 : memref<625x16xf32, #tpu.memory_space<vmem>>) target(%dma_start3A_114 : memref<625x16xf32, #tpu.memory_space<vmem_shared>>) target_semaphore(%run_scoped3A : memref<!tpu.dma_semaphore, #tpu.memory_space<semaphore_mem>>)
      %dma_wait3A_115 = arith.constant 0 : i32
      %dma_wait3A_116 = tpu.memref_slice %arg11[%mul3A_68, %dma_wait3A_115] : memref<10000x16xf32, #tpu.memory_space<vmem_shared>> -> memref<625x16xf32, #tpu.memory_space<vmem_shared>>
      %dma_wait3A_117 = arith.constant 0 : i32
      %dma_wait3A_118 = tpu.memref_slice %arg11[%mul3A_68, %dma_wait3A_117] : memref<10000x16xf32, #tpu.memory_space<vmem_shared>> -> memref<625x16xf32, #tpu.memory_space<vmem_shared>>
      tpu.wait_dma2 semaphore(%run_scoped3A : memref<!tpu.dma_semaphore, #tpu.memory_space<semaphore_mem>>) src(%arg15 : memref<625x16xf32, #tpu.memory_space<vmem>>) dst(%dma_wait3A_118 : memref<625x16xf32, #tpu.memory_space<vmem_shared>>)
      tpu.yield
    }) : () -> ()
    %mul3A_69 = arith.constant 625 : i32
    %mul3A_70 = arith.muli %arg1, %mul3A_69 : i32
    %dma_wait3A_71 = arith.constant 0 : i32
    %dma_wait3A_72 = tpu.memref_slice %arg12[%mul3A_70, %dma_wait3A_71] : memref<10000x16xf32, #tpu.memory_space<vmem_shared>> -> memref<625x16xf32, #tpu.memory_space<vmem_shared>>
    tpu.wait_dma2 semaphore(%arg13 : memref<!tpu.dma_semaphore, #tpu.memory_space<semaphore_mem>>) src(%arg5 : memref<625x16xf32, #tpu.memory_space<hbm>>) dst(%dma_wait3A_72 : memref<625x16xf32, #tpu.memory_space<vmem_shared>>)
    %dma_wait3A_73 = arith.constant 0 : i32
    %dma_wait3A_74 = arith.constant 0 : i32
    %dma_wait3A_75 = tpu.memref_slice %arg4[%add3A_5, %dma_wait3A_73, %dma_wait3A_74] : memref<2500x2x128xi32, #tpu.memory_space<hbm>> -> memref<79x1x128xi32, #tpu.memory_space<hbm>>
    %dma_wait3A_76 = tpu.memref_squeeze %dma_wait3A_75 : memref<79x1x128xi32, #tpu.memory_space<hbm>> -> memref<79x128xi32, #tpu.memory_space<hbm>>
    %dma_wait3A_77 = arith.constant 0 : i32
    %dma_wait3A_78 = tpu.memref_slice %arg4[%add3A_5, %dma_wait3A_73, %dma_wait3A_77] : memref<2500x2x128xi32, #tpu.memory_space<hbm>> -> memref<79x1x128xi32, #tpu.memory_space<hbm>>
    %dma_wait3A_79 = tpu.memref_squeeze %dma_wait3A_78 : memref<79x1x128xi32, #tpu.memory_space<hbm>> -> memref<79x128xi32, #tpu.memory_space<hbm>>
    tpu.wait_dma2 semaphore(%arg14 : memref<!tpu.dma_semaphore, #tpu.memory_space<semaphore_mem>>) src(%dma_wait3A_79 : memref<79x128xi32, #tpu.memory_space<hbm>>) dst(%arg7 : memref<79x128xi32, #tpu.memory_space<vmem>>)
    %dma_wait3A_80 = arith.constant 1 : i32
    %dma_wait3A_81 = arith.constant 0 : i32
    %dma_wait3A_82 = tpu.memref_slice %arg4[%add3A_5, %dma_wait3A_80, %dma_wait3A_81] : memref<2500x2x128xi32, #tpu.memory_space<hbm>> -> memref<79x1x128xi32, #tpu.memory_space<hbm>>
    %dma_wait3A_83 = tpu.memref_squeeze %dma_wait3A_82 : memref<79x1x128xi32, #tpu.memory_space<hbm>> -> memref<79x128xi32, #tpu.memory_space<hbm>>
    %dma_wait3A_84 = arith.constant 0 : i32
    %dma_wait3A_85 = tpu.memref_slice %arg4[%add3A_5, %dma_wait3A_80, %dma_wait3A_84] : memref<2500x2x128xi32, #tpu.memory_space<hbm>> -> memref<79x1x128xi32, #tpu.memory_space<hbm>>
    %dma_wait3A_86 = tpu.memref_squeeze %dma_wait3A_85 : memref<79x1x128xi32, #tpu.memory_space<hbm>> -> memref<79x128xi32, #tpu.memory_space<hbm>>
    tpu.wait_dma2 semaphore(%arg14 : memref<!tpu.dma_semaphore, #tpu.memory_space<semaphore_mem>>) src(%dma_wait3A_86 : memref<79x128xi32, #tpu.memory_space<hbm>>) dst(%arg8 : memref<79x128xi32, #tpu.memory_space<vmem>>)
    %barrier3A = arith.constant 0 : index
    tpu.barrier barrier_id(%barrier3A)
    %dma_start3A_87 = arith.constant 0 : i32
    %dma_start3A_88 = arith.constant 0 : i32
    %dma_start3A_89 = tpu.memref_slice %arg7[%dma_start3A_87, %dma_start3A_88] : memref<79x128xi32, #tpu.memory_space<vmem>> -> memref<1x128xi32, #tpu.memory_space<vmem>>
    %dma_start3A_90 = tpu.memref_squeeze %dma_start3A_89 : memref<1x128xi32, #tpu.memory_space<vmem>> -> memref<128xi32, #tpu.memory_space<vmem>>
    %dma_start3A_91 = arith.constant 0 : i32
    %dma_start3A_92 = arith.constant 0 : i32
    %dma_start3A_93 = tpu.memref_slice %arg11[%dma_start3A_91, %dma_start3A_92] : memref<10000x16xf32, #tpu.memory_space<vmem_shared>> -> memref<10000x16xf32, #tpu.memory_space<vmem_shared>>
    tpu.enqueue_indirect_dma source(%dma_start3A_93 : memref<10000x16xf32, #tpu.memory_space<vmem_shared>>) target(%arg9 : memref<128x16xf32, #tpu.memory_space<vmem>>) offsets(%dma_start3A_90 : memref<128xi32, #tpu.memory_space<vmem>>) semaphore(%arg13 : memref<!tpu.dma_semaphore, #tpu.memory_space<semaphore_mem>>)
    %scan3A_94 = arith.constant 0 : i32
    %scan3A_95 = arith.constant 0 : i32
    %scan3A_96 = arith.constant 39 : i32
    %scan3A_97 = arith.addi %scan3A_95, %scan3A_96 : i32
    %scan3A_98 = arith.constant 1 : i32
    %scan3A_99 = scf.for %scan3A_111 = %scan3A_95 to %scan3A_97 step %scan3A_98 iter_args(%scan3A_112 = %scan3A_94) -> (i32)  : i32 {
      %mul3A_113 = arith.constant 2 : i32
      %mul3A_114 = arith.muli %mul3A_113, %scan3A_111 : i32
      %mul3A_115 = arith.constant 2 : i32
      %mul3A_116 = arith.muli %mul3A_115, %scan3A_111 : i32
      %add3A_117 = arith.constant 1 : i32
      %add3A_118 = arith.addi %mul3A_116, %add3A_117 : i32
      %dma_start3A_119 = arith.constant 0 : i32
      %dma_start3A_120 = tpu.memref_slice %arg7[%add3A_118, %dma_start3A_119] : memref<79x128xi32, #tpu.memory_space<vmem>> -> memref<1x128xi32, #tpu.memory_space<vmem>>
      %dma_start3A_121 = tpu.memref_squeeze %dma_start3A_120 : memref<1x128xi32, #tpu.memory_space<vmem>> -> memref<128xi32, #tpu.memory_space<vmem>>
      %dma_start3A_122 = arith.constant 0 : i32
      %dma_start3A_123 = arith.constant 0 : i32
      %dma_start3A_124 = tpu.memref_slice %arg11[%dma_start3A_122, %dma_start3A_123] : memref<10000x16xf32, #tpu.memory_space<vmem_shared>> -> memref<10000x16xf32, #tpu.memory_space<vmem_shared>>
      tpu.enqueue_indirect_dma source(%dma_start3A_124 : memref<10000x16xf32, #tpu.memory_space<vmem_shared>>) target(%arg10 : memref<128x16xf32, #tpu.memory_space<vmem>>) offsets(%dma_start3A_121 : memref<128xi32, #tpu.memory_space<vmem>>) semaphore(%arg14 : memref<!tpu.dma_semaphore, #tpu.memory_space<semaphore_mem>>)
      %dma_wait3A_125 = arith.constant 0 : i32
      %dma_wait3A_126 = tpu.memref_slice %arg7[%mul3A_114, %dma_wait3A_125] : memref<79x128xi32, #tpu.memory_space<vmem>> -> memref<1x128xi32, #tpu.memory_space<vmem>>
      %dma_wait3A_127 = tpu.memref_squeeze %dma_wait3A_126 : memref<1x128xi32, #tpu.memory_space<vmem>> -> memref<128xi32, #tpu.memory_space<vmem>>
      %dma_wait3A_128 = arith.constant 0 : i32
      %dma_wait3A_129 = arith.constant 0 : i32
      %dma_wait3A_130 = tpu.memref_slice %arg11[%dma_wait3A_128, %dma_wait3A_129] : memref<10000x16xf32, #tpu.memory_space<vmem_shared>> -> memref<10000x16xf32, #tpu.memory_space<vmem_shared>>
      tpu.wait_indirect_dma semaphore(%arg13 : memref<!tpu.dma_semaphore, #tpu.memory_space<semaphore_mem>>) src(%dma_wait3A_130 : memref<10000x16xf32, #tpu.memory_space<vmem_shared>>) dst(%arg9 : memref<128x16xf32, #tpu.memory_space<vmem>>)
      "tpu.region"() ({
        %run_scoped3A = tpu.sem_alloc : memref<!tpu.dma_semaphore, #tpu.memory_space<semaphore_mem>>
        %dma_start3A_143 = arith.constant 0 : i32
        %dma_start3A_144 = tpu.memref_slice %arg8[%mul3A_114, %dma_start3A_143] : memref<79x128xi32, #tpu.memory_space<vmem>> -> memref<1x128xi32, #tpu.memory_space<vmem>>
        %dma_start3A_145 = tpu.memref_squeeze %dma_start3A_144 : memref<1x128xi32, #tpu.memory_space<vmem>> -> memref<128xi32, #tpu.memory_space<vmem>>
        %dma_start3A_146 = arith.constant 0 : i32
        %dma_start3A_147 = arith.constant 0 : i32
        %dma_start3A_148 = tpu.memref_slice %arg12[%dma_start3A_146, %dma_start3A_147] : memref<10000x16xf32, #tpu.memory_space<vmem_shared>> -> memref<10000x16xf32, #tpu.memory_space<vmem_shared>>
        tpu.enqueue_indirect_dma source(%arg9 : memref<128x16xf32, #tpu.memory_space<vmem>>) target(%dma_start3A_148 : memref<10000x16xf32, #tpu.memory_space<vmem_shared>>) offsets(%dma_start3A_145 : memref<128xi32, #tpu.memory_space<vmem>>) semaphore(%run_scoped3A : memref<!tpu.dma_semaphore, #tpu.memory_space<semaphore_mem>>) {add = true}
        %dma_wait3A_149 = arith.constant 0 : i32
        %dma_wait3A_150 = tpu.memref_slice %arg8[%mul3A_114, %dma_wait3A_149] : memref<79x128xi32, #tpu.memory_space<vmem>> -> memref<1x128xi32, #tpu.memory_space<vmem>>
        %dma_wait3A_151 = tpu.memref_squeeze %dma_wait3A_150 : memref<1x128xi32, #tpu.memory_space<vmem>> -> memref<128xi32, #tpu.memory_space<vmem>>
        %dma_wait3A_152 = arith.constant 0 : i32
        %dma_wait3A_153 = arith.constant 0 : i32
        %dma_wait3A_154 = tpu.memref_slice %arg12[%dma_wait3A_152, %dma_wait3A_153] : memref<10000x16xf32, #tpu.memory_space<vmem_shared>> -> memref<10000x16xf32, #tpu.memory_space<vmem_shared>>
        tpu.wait_indirect_dma semaphore(%run_scoped3A : memref<!tpu.dma_semaphore, #tpu.memory_space<semaphore_mem>>) src(%arg9 : memref<128x16xf32, #tpu.memory_space<vmem>>) dst(%dma_wait3A_154 : memref<10000x16xf32, #tpu.memory_space<vmem_shared>>)
        tpu.yield
      }) : () -> ()
      %add3A_131 = arith.constant 2 : i32
      %add3A_132 = arith.addi %mul3A_114, %add3A_131 : i32
      %lt3A = arith.cmpi slt, %add3A_132, %add3A_8 : i32
      %convert_element_type3A_133 = arith.extui %lt3A : i1 to i32
      %cond3A_134 = arith.constant 0 : i32
      %cond3A_135 = arith.cmpi ne, %convert_element_type3A_133, %cond3A_134 : i32
      scf.if %cond3A_135 {
        %add3A_143 = arith.constant 2 : i32
        %add3A_144 = arith.addi %mul3A_114, %add3A_143 : i32
        %dma_start3A_145 = arith.constant 0 : i32
        %dma_start3A_146 = tpu.memref_slice %arg7[%add3A_144, %dma_start3A_145] : memref<79x128xi32, #tpu.memory_space<vmem>> -> memref<1x128xi32, #tpu.memory_space<vmem>>
        %dma_start3A_147 = tpu.memref_squeeze %dma_start3A_146 : memref<1x128xi32, #tpu.memory_space<vmem>> -> memref<128xi32, #tpu.memory_space<vmem>>
        %dma_start3A_148 = arith.constant 0 : i32
        %dma_start3A_149 = arith.constant 0 : i32
        %dma_start3A_150 = tpu.memref_slice %arg11[%dma_start3A_148, %dma_start3A_149] : memref<10000x16xf32, #tpu.memory_space<vmem_shared>> -> memref<10000x16xf32, #tpu.memory_space<vmem_shared>>
        tpu.enqueue_indirect_dma source(%dma_start3A_150 : memref<10000x16xf32, #tpu.memory_space<vmem_shared>>) target(%arg9 : memref<128x16xf32, #tpu.memory_space<vmem>>) offsets(%dma_start3A_147 : memref<128xi32, #tpu.memory_space<vmem>>) semaphore(%arg13 : memref<!tpu.dma_semaphore, #tpu.memory_space<semaphore_mem>>)
      } else {
      }
      %dma_wait3A_136 = arith.constant 0 : i32
      %dma_wait3A_137 = tpu.memref_slice %arg7[%add3A_118, %dma_wait3A_136] : memref<79x128xi32, #tpu.memory_space<vmem>> -> memref<1x128xi32, #tpu.memory_space<vmem>>
      %dma_wait3A_138 = tpu.memref_squeeze %dma_wait3A_137 : memref<1x128xi32, #tpu.memory_space<vmem>> -> memref<128xi32, #tpu.memory_space<vmem>>
      %dma_wait3A_139 = arith.constant 0 : i32
      %dma_wait3A_140 = arith.constant 0 : i32
      %dma_wait3A_141 = tpu.memref_slice %arg11[%dma_wait3A_139, %dma_wait3A_140] : memref<10000x16xf32, #tpu.memory_space<vmem_shared>> -> memref<10000x16xf32, #tpu.memory_space<vmem_shared>>
      tpu.wait_indirect_dma semaphore(%arg14 : memref<!tpu.dma_semaphore, #tpu.memory_space<semaphore_mem>>) src(%dma_wait3A_141 : memref<10000x16xf32, #tpu.memory_space<vmem_shared>>) dst(%arg10 : memref<128x16xf32, #tpu.memory_space<vmem>>)
      "tpu.region"() ({
        %run_scoped3A = tpu.sem_alloc : memref<!tpu.dma_semaphore, #tpu.memory_space<semaphore_mem>>
        %dma_start3A_143 = arith.constant 0 : i32
        %dma_start3A_144 = tpu.memref_slice %arg8[%add3A_118, %dma_start3A_143] : memref<79x128xi32, #tpu.memory_space<vmem>> -> memref<1x128xi32, #tpu.memory_space<vmem>>
        %dma_start3A_145 = tpu.memref_squeeze %dma_start3A_144 : memref<1x128xi32, #tpu.memory_space<vmem>> -> memref<128xi32, #tpu.memory_space<vmem>>
        %dma_start3A_146 = arith.constant 0 : i32
        %dma_start3A_147 = arith.constant 0 : i32
        %dma_start3A_148 = tpu.memref_slice %arg12[%dma_start3A_146, %dma_start3A_147] : memref<10000x16xf32, #tpu.memory_space<vmem_shared>> -> memref<10000x16xf32, #tpu.memory_space<vmem_shared>>
        tpu.enqueue_indirect_dma source(%arg10 : memref<128x16xf32, #tpu.memory_space<vmem>>) target(%dma_start3A_148 : memref<10000x16xf32, #tpu.memory_space<vmem_shared>>) offsets(%dma_start3A_145 : memref<128xi32, #tpu.memory_space<vmem>>) semaphore(%run_scoped3A : memref<!tpu.dma_semaphore, #tpu.memory_space<semaphore_mem>>) {add = true}
        %dma_wait3A_149 = arith.constant 0 : i32
        %dma_wait3A_150 = tpu.memref_slice %arg8[%add3A_118, %dma_wait3A_149] : memref<79x128xi32, #tpu.memory_space<vmem>> -> memref<1x128xi32, #tpu.memory_space<vmem>>
        %dma_wait3A_151 = tpu.memref_squeeze %dma_wait3A_150 : memref<1x128xi32, #tpu.memory_space<vmem>> -> memref<128xi32, #tpu.memory_space<vmem>>
        %dma_wait3A_152 = arith.constant 0 : i32
        %dma_wait3A_153 = arith.constant 0 : i32
        %dma_wait3A_154 = tpu.memref_slice %arg12[%dma_wait3A_152, %dma_wait3A_153] : memref<10000x16xf32, #tpu.memory_space<vmem_shared>> -> memref<10000x16xf32, #tpu.memory_space<vmem_shared>>
        tpu.wait_indirect_dma semaphore(%run_scoped3A : memref<!tpu.dma_semaphore, #tpu.memory_space<semaphore_mem>>) src(%arg10 : memref<128x16xf32, #tpu.memory_space<vmem>>) dst(%dma_wait3A_154 : memref<10000x16xf32, #tpu.memory_space<vmem_shared>>)
        tpu.yield
      }) : () -> ()
      %scan3A_142 = arith.constant 0 : i32
      scf.yield %scan3A_142 : i32
    }
    %scan3A_100 = arith.constant 39 : i32
    %eq3A = arith.constant 79 : i32
    %eq3A_101 = arith.cmpi eq, %add3A_8, %eq3A : i32
    %convert_element_type3A_102 = arith.extui %eq3A_101 : i1 to i32
    %cond3A = arith.constant 0 : i32
    %cond3A_103 = arith.cmpi ne, %convert_element_type3A_102, %cond3A : i32
    scf.if %cond3A_103 {
      %dma_wait3A_111 = arith.constant 78 : i32
      %dma_wait3A_112 = arith.constant 0 : i32
      %dma_wait3A_113 = tpu.memref_slice %arg7[%dma_wait3A_111, %dma_wait3A_112] : memref<79x128xi32, #tpu.memory_space<vmem>> -> memref<1x128xi32, #tpu.memory_space<vmem>>
      %dma_wait3A_114 = tpu.memref_squeeze %dma_wait3A_113 : memref<1x128xi32, #tpu.memory_space<vmem>> -> memref<128xi32, #tpu.memory_space<vmem>>
      %dma_wait3A_115 = arith.constant 0 : i32
      %dma_wait3A_116 = arith.constant 0 : i32
      %dma_wait3A_117 = tpu.memref_slice %arg11[%dma_wait3A_115, %dma_wait3A_116] : memref<10000x16xf32, #tpu.memory_space<vmem_shared>> -> memref<10000x16xf32, #tpu.memory_space<vmem_shared>>
      tpu.wait_indirect_dma semaphore(%arg13 : memref<!tpu.dma_semaphore, #tpu.memory_space<semaphore_mem>>) src(%dma_wait3A_117 : memref<10000x16xf32, #tpu.memory_space<vmem_shared>>) dst(%arg9 : memref<128x16xf32, #tpu.memory_space<vmem>>)
      %run_scoped3A = arith.constant 78 : i32
      "tpu.region"() ({
        %run_scoped3A_118 = tpu.sem_alloc : memref<!tpu.dma_semaphore, #tpu.memory_space<semaphore_mem>>
        %dma_start3A_119 = arith.constant 0 : i32
        %dma_start3A_120 = tpu.memref_slice %arg8[%run_scoped3A, %dma_start3A_119] : memref<79x128xi32, #tpu.memory_space<vmem>> -> memref<1x128xi32, #tpu.memory_space<vmem>>
        %dma_start3A_121 = tpu.memref_squeeze %dma_start3A_120 : memref<1x128xi32, #tpu.memory_space<vmem>> -> memref<128xi32, #tpu.memory_space<vmem>>
        %dma_start3A_122 = arith.constant 0 : i32
        %dma_start3A_123 = arith.constant 0 : i32
        %dma_start3A_124 = tpu.memref_slice %arg12[%dma_start3A_122, %dma_start3A_123] : memref<10000x16xf32, #tpu.memory_space<vmem_shared>> -> memref<10000x16xf32, #tpu.memory_space<vmem_shared>>
        tpu.enqueue_indirect_dma source(%arg9 : memref<128x16xf32, #tpu.memory_space<vmem>>) target(%dma_start3A_124 : memref<10000x16xf32, #tpu.memory_space<vmem_shared>>) offsets(%dma_start3A_121 : memref<128xi32, #tpu.memory_space<vmem>>) semaphore(%run_scoped3A_118 : memref<!tpu.dma_semaphore, #tpu.memory_space<semaphore_mem>>) {add = true}
        %dma_wait3A_125 = arith.constant 0 : i32
        %dma_wait3A_126 = tpu.memref_slice %arg8[%run_scoped3A, %dma_wait3A_125] : memref<79x128xi32, #tpu.memory_space<vmem>> -> memref<1x128xi32, #tpu.memory_space<vmem>>
        %dma_wait3A_127 = tpu.memref_squeeze %dma_wait3A_126 : memref<1x128xi32, #tpu.memory_space<vmem>> -> memref<128xi32, #tpu.memory_space<vmem>>
        %dma_wait3A_128 = arith.constant 0 : i32
        %dma_wait3A_129 = arith.constant 0 : i32
        %dma_wait3A_130 = tpu.memref_slice %arg12[%dma_wait3A_128, %dma_wait3A_129] : memref<10000x16xf32, #tpu.memory_space<vmem_shared>> -> memref<10000x16xf32, #tpu.memory_space<vmem_shared>>
        tpu.wait_indirect_dma semaphore(%run_scoped3A_118 : memref<!tpu.dma_semaphore, #tpu.memory_space<semaphore_mem>>) src(%arg9 : memref<128x16xf32, #tpu.memory_space<vmem>>) dst(%dma_wait3A_130 : memref<10000x16xf32, #tpu.memory_space<vmem_shared>>)
        tpu.yield
      }) : () -> ()
    } else {
    }
    %barrier3A_104 = arith.constant 0 : index
    tpu.barrier barrier_id(%barrier3A_104)
    %mul3A_105 = arith.constant 625 : i32
    %mul3A_106 = arith.muli %arg1, %mul3A_105 : i32
    %mul3A_107 = arith.constant 625 : i32
    %mul3A_108 = arith.muli %arg1, %mul3A_107 : i32
    %mul3A_109 = arith.constant 16 : i32
    %mul3A_110 = arith.muli %arg0, %mul3A_109 : i32
    "tpu.region"() ({
      %run_scoped3A = tpu.sem_alloc : memref<!tpu.dma_semaphore, #tpu.memory_space<semaphore_mem>>
      %dma_start3A_111 = tpu.memref_slice %arg6[%mul3A_108, %mul3A_110] : memref<10000x128xf32, #tpu.memory_space<hbm>> -> memref<625x16xf32, #tpu.memory_space<hbm>>
      %dma_start3A_112 = arith.constant 0 : i32
      %dma_start3A_113 = tpu.memref_slice %arg12[%mul3A_106, %dma_start3A_112] : memref<10000x16xf32, #tpu.memory_space<vmem_shared>> -> memref<625x16xf32, #tpu.memory_space<vmem_shared>>
      tpu.enqueue_dma source(%dma_start3A_113 : memref<625x16xf32, #tpu.memory_space<vmem_shared>>) target(%dma_start3A_111 : memref<625x16xf32, #tpu.memory_space<hbm>>) target_semaphore(%run_scoped3A : memref<!tpu.dma_semaphore, #tpu.memory_space<semaphore_mem>>)
      %dma_wait3A_114 = tpu.memref_slice %arg6[%mul3A_108, %mul3A_110] : memref<10000x128xf32, #tpu.memory_space<hbm>> -> memref<625x16xf32, #tpu.memory_space<hbm>>
      %dma_wait3A_115 = arith.constant 0 : i32
      %dma_wait3A_116 = tpu.memref_slice %arg12[%mul3A_106, %dma_wait3A_115] : memref<10000x16xf32, #tpu.memory_space<vmem_shared>> -> memref<625x16xf32, #tpu.memory_space<vmem_shared>>
      tpu.wait_dma2 semaphore(%run_scoped3A : memref<!tpu.dma_semaphore, #tpu.memory_space<semaphore_mem>>) src(%dma_wait3A_116 : memref<625x16xf32, #tpu.memory_space<vmem_shared>>) dst(%dma_wait3A_114 : memref<625x16xf32, #tpu.memory_space<hbm>>)
      tpu.yield
    }) : () -> ()
    return
  }
}

#map = affine_map<(d0, d1) -> (0, 0)>
#map1 = affine_map<(d0, d1) -> (0, 0, 0)>
module attributes {stable_mosaic.version = 14 : i64} {
  func.func @body_unscaled(%arg0: i32, %arg1: i32, %arg2: memref<10000x128xf32, #tpu.memory_space<hbm>>, %arg3: memref<2500x2x128xi32, #tpu.memory_space<hbm>>, %arg4: memref<625x40xf32, #tpu.memory_space<hbm>>, %arg5: memref<10000x128xf32, #tpu.memory_space<hbm>>, %arg6: memref<79x128xi32, #tpu.memory_space<vmem>>, %arg7: memref<79x128xi32, #tpu.memory_space<vmem>>, %arg8: memref<128x40xf32, #tpu.memory_space<vmem>>, %arg9: memref<128x40xf32, #tpu.memory_space<vmem>>, %arg10: memref<10000x40xf32, #tpu.memory_space<vmem_shared>>, %arg11: memref<10000x40xf32, #tpu.memory_space<vmem_shared>>, %arg12: memref<!tpu.dma_semaphore, #tpu.memory_space<semaphore_mem>>, %arg13: memref<!tpu.dma_semaphore, #tpu.memory_space<semaphore_mem>>) attributes {dimension_semantics = [#tpu.dimension_semantics<core_parallel>, #tpu.dimension_semantics<subcore_parallel>], iteration_bounds = array<i64: 2, 16>, scalar_prefetch = 0 : i64, scratch_operands = 8 : i64, tpu.core_type = #tpu.core_type<sc_vector_subcore>, window_params = [{transform_indices = #map}, {transform_indices = #map1}, {transform_indices = #map}, {transform_indices = #map}]} {
    %mul3A = arith.constant 16 : i32
    %mul3A_0 = arith.muli %arg0, %mul3A : i32
    %add3A = arith.addi %mul3A_0, %arg1 : i32
    %mul3A_1 = arith.constant 78 : i32
    %mul3A_2 = arith.muli %add3A, %mul3A_1 : i32
    %sub3A = arith.constant 28 : i32
    %sub3A_3 = arith.subi %add3A, %sub3A : i32
    %max3A = arith.constant 0 : i32
    %max3A_4 = arith.maxsi %sub3A_3, %max3A : i32
    %add3A_5 = arith.addi %mul3A_2, %max3A_4 : i32
    %ge3A = arith.constant 28 : i32
    %ge3A_6 = arith.cmpi sge, %add3A, %ge3A : i32
    %convert_element_type3A = arith.extui %ge3A_6 : i1 to i32
    %add3A_7 = arith.constant 78 : i32
    %add3A_8 = arith.addi %add3A_7, %convert_element_type3A : i32
    %mul3A_9 = arith.constant 625 : i32
    %mul3A_10 = arith.muli %arg1, %mul3A_9 : i32
    %dma_start3A = arith.constant 0 : i32
    %dma_start3A_11 = tpu.memref_slice %arg11[%mul3A_10, %dma_start3A] : memref<10000x40xf32, #tpu.memory_space<vmem_shared>> -> memref<625x40xf32, #tpu.memory_space<vmem_shared>>
    tpu.enqueue_dma source(%arg4 : memref<625x40xf32, #tpu.memory_space<hbm>>) target(%dma_start3A_11 : memref<625x40xf32, #tpu.memory_space<vmem_shared>>) target_semaphore(%arg12 : memref<!tpu.dma_semaphore, #tpu.memory_space<semaphore_mem>>)
    %dma_start3A_12 = arith.constant 0 : i32
    %dma_start3A_13 = arith.constant 0 : i32
    %dma_start3A_14 = tpu.memref_slice %arg3[%add3A_5, %dma_start3A_12, %dma_start3A_13] : memref<2500x2x128xi32, #tpu.memory_space<hbm>> -> memref<79x1x128xi32, #tpu.memory_space<hbm>>
    %dma_start3A_15 = tpu.memref_squeeze %dma_start3A_14 : memref<79x1x128xi32, #tpu.memory_space<hbm>> -> memref<79x128xi32, #tpu.memory_space<hbm>>
    %dma_start3A_16 = arith.constant 0 : i32
    %dma_start3A_17 = tpu.memref_slice %arg3[%add3A_5, %dma_start3A_12, %dma_start3A_16] : memref<2500x2x128xi32, #tpu.memory_space<hbm>> -> memref<79x1x128xi32, #tpu.memory_space<hbm>>
    %dma_start3A_18 = tpu.memref_squeeze %dma_start3A_17 : memref<79x1x128xi32, #tpu.memory_space<hbm>> -> memref<79x128xi32, #tpu.memory_space<hbm>>
    tpu.enqueue_dma source(%dma_start3A_18 : memref<79x128xi32, #tpu.memory_space<hbm>>) target(%arg6 : memref<79x128xi32, #tpu.memory_space<vmem>>) target_semaphore(%arg13 : memref<!tpu.dma_semaphore, #tpu.memory_space<semaphore_mem>>)
    %dma_start3A_19 = arith.constant 1 : i32
    %dma_start3A_20 = arith.constant 0 : i32
    %dma_start3A_21 = tpu.memref_slice %arg3[%add3A_5, %dma_start3A_19, %dma_start3A_20] : memref<2500x2x128xi32, #tpu.memory_space<hbm>> -> memref<79x1x128xi32, #tpu.memory_space<hbm>>
    %dma_start3A_22 = tpu.memref_squeeze %dma_start3A_21 : memref<79x1x128xi32, #tpu.memory_space<hbm>> -> memref<79x128xi32, #tpu.memory_space<hbm>>
    %dma_start3A_23 = arith.constant 0 : i32
    %dma_start3A_24 = tpu.memref_slice %arg3[%add3A_5, %dma_start3A_19, %dma_start3A_23] : memref<2500x2x128xi32, #tpu.memory_space<hbm>> -> memref<79x1x128xi32, #tpu.memory_space<hbm>>
    %dma_start3A_25 = tpu.memref_squeeze %dma_start3A_24 : memref<79x1x128xi32, #tpu.memory_space<hbm>> -> memref<79x128xi32, #tpu.memory_space<hbm>>
    tpu.enqueue_dma source(%dma_start3A_25 : memref<79x128xi32, #tpu.memory_space<hbm>>) target(%arg7 : memref<79x128xi32, #tpu.memory_space<vmem>>) target_semaphore(%arg13 : memref<!tpu.dma_semaphore, #tpu.memory_space<semaphore_mem>>)
    %mul3A_26 = arith.constant 625 : i32
    %mul3A_27 = arith.muli %arg1, %mul3A_26 : i32
    %mul3A_28 = arith.constant 625 : i32
    %mul3A_29 = arith.muli %arg1, %mul3A_28 : i32
    %dma_start3A_30 = arith.constant 0 : i32
    %dma_start3A_31 = tpu.memref_slice %arg10[%mul3A_29, %dma_start3A_30] : memref<10000x40xf32, #tpu.memory_space<vmem_shared>> -> memref<625x40xf32, #tpu.memory_space<vmem_shared>>
    %dma_start3A_32 = arith.constant 0 : i32
    %dma_start3A_33 = tpu.memref_slice %arg2[%mul3A_27, %dma_start3A_32] : memref<10000x128xf32, #tpu.memory_space<hbm>> -> memref<625x40xf32, #tpu.memory_space<hbm>>
    tpu.enqueue_dma source(%dma_start3A_33 : memref<625x40xf32, #tpu.memory_space<hbm>>) target(%dma_start3A_31 : memref<625x40xf32, #tpu.memory_space<vmem_shared>>) target_semaphore(%arg12 : memref<!tpu.dma_semaphore, #tpu.memory_space<semaphore_mem>>)
    %mul3A_34 = arith.constant 625 : i32
    %mul3A_35 = arith.muli %arg1, %mul3A_34 : i32
    %mul3A_36 = arith.constant 625 : i32
    %mul3A_37 = arith.muli %arg1, %mul3A_36 : i32
    %dma_wait3A = arith.constant 0 : i32
    %dma_wait3A_38 = tpu.memref_slice %arg10[%mul3A_37, %dma_wait3A] : memref<10000x40xf32, #tpu.memory_space<vmem_shared>> -> memref<625x40xf32, #tpu.memory_space<vmem_shared>>
    %dma_wait3A_39 = arith.constant 0 : i32
    %dma_wait3A_40 = tpu.memref_slice %arg2[%mul3A_35, %dma_wait3A_39] : memref<10000x128xf32, #tpu.memory_space<hbm>> -> memref<625x40xf32, #tpu.memory_space<hbm>>
    tpu.wait_dma2 semaphore(%arg12 : memref<!tpu.dma_semaphore, #tpu.memory_space<semaphore_mem>>) src(%dma_wait3A_40 : memref<625x40xf32, #tpu.memory_space<hbm>>) dst(%dma_wait3A_38 : memref<625x40xf32, #tpu.memory_space<vmem_shared>>)
    %mul3A_41 = arith.constant 625 : i32
    %mul3A_42 = arith.muli %arg1, %mul3A_41 : i32
    %dma_wait3A_43 = arith.constant 0 : i32
    %dma_wait3A_44 = tpu.memref_slice %arg11[%mul3A_42, %dma_wait3A_43] : memref<10000x40xf32, #tpu.memory_space<vmem_shared>> -> memref<625x40xf32, #tpu.memory_space<vmem_shared>>
    tpu.wait_dma2 semaphore(%arg12 : memref<!tpu.dma_semaphore, #tpu.memory_space<semaphore_mem>>) src(%arg4 : memref<625x40xf32, #tpu.memory_space<hbm>>) dst(%dma_wait3A_44 : memref<625x40xf32, #tpu.memory_space<vmem_shared>>)
    %dma_wait3A_45 = arith.constant 0 : i32
    %dma_wait3A_46 = arith.constant 0 : i32
    %dma_wait3A_47 = tpu.memref_slice %arg3[%add3A_5, %dma_wait3A_45, %dma_wait3A_46] : memref<2500x2x128xi32, #tpu.memory_space<hbm>> -> memref<79x1x128xi32, #tpu.memory_space<hbm>>
    %dma_wait3A_48 = tpu.memref_squeeze %dma_wait3A_47 : memref<79x1x128xi32, #tpu.memory_space<hbm>> -> memref<79x128xi32, #tpu.memory_space<hbm>>
    %dma_wait3A_49 = arith.constant 0 : i32
    %dma_wait3A_50 = tpu.memref_slice %arg3[%add3A_5, %dma_wait3A_45, %dma_wait3A_49] : memref<2500x2x128xi32, #tpu.memory_space<hbm>> -> memref<79x1x128xi32, #tpu.memory_space<hbm>>
    %dma_wait3A_51 = tpu.memref_squeeze %dma_wait3A_50 : memref<79x1x128xi32, #tpu.memory_space<hbm>> -> memref<79x128xi32, #tpu.memory_space<hbm>>
    tpu.wait_dma2 semaphore(%arg13 : memref<!tpu.dma_semaphore, #tpu.memory_space<semaphore_mem>>) src(%dma_wait3A_51 : memref<79x128xi32, #tpu.memory_space<hbm>>) dst(%arg6 : memref<79x128xi32, #tpu.memory_space<vmem>>)
    %dma_wait3A_52 = arith.constant 1 : i32
    %dma_wait3A_53 = arith.constant 0 : i32
    %dma_wait3A_54 = tpu.memref_slice %arg3[%add3A_5, %dma_wait3A_52, %dma_wait3A_53] : memref<2500x2x128xi32, #tpu.memory_space<hbm>> -> memref<79x1x128xi32, #tpu.memory_space<hbm>>
    %dma_wait3A_55 = tpu.memref_squeeze %dma_wait3A_54 : memref<79x1x128xi32, #tpu.memory_space<hbm>> -> memref<79x128xi32, #tpu.memory_space<hbm>>
    %dma_wait3A_56 = arith.constant 0 : i32
    %dma_wait3A_57 = tpu.memref_slice %arg3[%add3A_5, %dma_wait3A_52, %dma_wait3A_56] : memref<2500x2x128xi32, #tpu.memory_space<hbm>> -> memref<79x1x128xi32, #tpu.memory_space<hbm>>
    %dma_wait3A_58 = tpu.memref_squeeze %dma_wait3A_57 : memref<79x1x128xi32, #tpu.memory_space<hbm>> -> memref<79x128xi32, #tpu.memory_space<hbm>>
    tpu.wait_dma2 semaphore(%arg13 : memref<!tpu.dma_semaphore, #tpu.memory_space<semaphore_mem>>) src(%dma_wait3A_58 : memref<79x128xi32, #tpu.memory_space<hbm>>) dst(%arg7 : memref<79x128xi32, #tpu.memory_space<vmem>>)
    %barrier3A = arith.constant 0 : index
    tpu.barrier barrier_id(%barrier3A)
    %dma_start3A_59 = arith.constant 0 : i32
    %dma_start3A_60 = arith.constant 0 : i32
    %dma_start3A_61 = tpu.memref_slice %arg6[%dma_start3A_59, %dma_start3A_60] : memref<79x128xi32, #tpu.memory_space<vmem>> -> memref<1x128xi32, #tpu.memory_space<vmem>>
    %dma_start3A_62 = tpu.memref_squeeze %dma_start3A_61 : memref<1x128xi32, #tpu.memory_space<vmem>> -> memref<128xi32, #tpu.memory_space<vmem>>
    %dma_start3A_63 = arith.constant 0 : i32
    %dma_start3A_64 = arith.constant 0 : i32
    %dma_start3A_65 = tpu.memref_slice %arg10[%dma_start3A_63, %dma_start3A_64] : memref<10000x40xf32, #tpu.memory_space<vmem_shared>> -> memref<10000x40xf32, #tpu.memory_space<vmem_shared>>
    tpu.enqueue_indirect_dma source(%dma_start3A_65 : memref<10000x40xf32, #tpu.memory_space<vmem_shared>>) target(%arg8 : memref<128x40xf32, #tpu.memory_space<vmem>>) offsets(%dma_start3A_62 : memref<128xi32, #tpu.memory_space<vmem>>) semaphore(%arg12 : memref<!tpu.dma_semaphore, #tpu.memory_space<semaphore_mem>>)
    %scan3A = arith.constant 0 : i32
    %scan3A_66 = arith.constant 0 : i32
    %scan3A_67 = arith.constant 39 : i32
    %scan3A_68 = arith.addi %scan3A_66, %scan3A_67 : i32
    %scan3A_69 = arith.constant 1 : i32
    %scan3A_70 = scf.for %scan3A_82 = %scan3A_66 to %scan3A_68 step %scan3A_69 iter_args(%scan3A_83 = %scan3A) -> (i32)  : i32 {
      %mul3A_84 = arith.constant 2 : i32
      %mul3A_85 = arith.muli %mul3A_84, %scan3A_82 : i32
      %mul3A_86 = arith.constant 2 : i32
      %mul3A_87 = arith.muli %mul3A_86, %scan3A_82 : i32
      %add3A_88 = arith.constant 1 : i32
      %add3A_89 = arith.addi %mul3A_87, %add3A_88 : i32
      %dma_start3A_90 = arith.constant 0 : i32
      %dma_start3A_91 = tpu.memref_slice %arg6[%add3A_89, %dma_start3A_90] : memref<79x128xi32, #tpu.memory_space<vmem>> -> memref<1x128xi32, #tpu.memory_space<vmem>>
      %dma_start3A_92 = tpu.memref_squeeze %dma_start3A_91 : memref<1x128xi32, #tpu.memory_space<vmem>> -> memref<128xi32, #tpu.memory_space<vmem>>
      %dma_start3A_93 = arith.constant 0 : i32
      %dma_start3A_94 = arith.constant 0 : i32
      %dma_start3A_95 = tpu.memref_slice %arg10[%dma_start3A_93, %dma_start3A_94] : memref<10000x40xf32, #tpu.memory_space<vmem_shared>> -> memref<10000x40xf32, #tpu.memory_space<vmem_shared>>
      tpu.enqueue_indirect_dma source(%dma_start3A_95 : memref<10000x40xf32, #tpu.memory_space<vmem_shared>>) target(%arg9 : memref<128x40xf32, #tpu.memory_space<vmem>>) offsets(%dma_start3A_92 : memref<128xi32, #tpu.memory_space<vmem>>) semaphore(%arg13 : memref<!tpu.dma_semaphore, #tpu.memory_space<semaphore_mem>>)
      %dma_wait3A_96 = arith.constant 0 : i32
      %dma_wait3A_97 = tpu.memref_slice %arg6[%mul3A_85, %dma_wait3A_96] : memref<79x128xi32, #tpu.memory_space<vmem>> -> memref<1x128xi32, #tpu.memory_space<vmem>>
      %dma_wait3A_98 = tpu.memref_squeeze %dma_wait3A_97 : memref<1x128xi32, #tpu.memory_space<vmem>> -> memref<128xi32, #tpu.memory_space<vmem>>
      %dma_wait3A_99 = arith.constant 0 : i32
      %dma_wait3A_100 = arith.constant 0 : i32
      %dma_wait3A_101 = tpu.memref_slice %arg10[%dma_wait3A_99, %dma_wait3A_100] : memref<10000x40xf32, #tpu.memory_space<vmem_shared>> -> memref<10000x40xf32, #tpu.memory_space<vmem_shared>>
      tpu.wait_indirect_dma semaphore(%arg12 : memref<!tpu.dma_semaphore, #tpu.memory_space<semaphore_mem>>) src(%dma_wait3A_101 : memref<10000x40xf32, #tpu.memory_space<vmem_shared>>) dst(%arg8 : memref<128x40xf32, #tpu.memory_space<vmem>>)
      "tpu.region"() ({
        %run_scoped3A = tpu.sem_alloc : memref<!tpu.dma_semaphore, #tpu.memory_space<semaphore_mem>>
        %dma_start3A_114 = arith.constant 0 : i32
        %dma_start3A_115 = tpu.memref_slice %arg7[%mul3A_85, %dma_start3A_114] : memref<79x128xi32, #tpu.memory_space<vmem>> -> memref<1x128xi32, #tpu.memory_space<vmem>>
        %dma_start3A_116 = tpu.memref_squeeze %dma_start3A_115 : memref<1x128xi32, #tpu.memory_space<vmem>> -> memref<128xi32, #tpu.memory_space<vmem>>
        %dma_start3A_117 = arith.constant 0 : i32
        %dma_start3A_118 = arith.constant 0 : i32
        %dma_start3A_119 = tpu.memref_slice %arg11[%dma_start3A_117, %dma_start3A_118] : memref<10000x40xf32, #tpu.memory_space<vmem_shared>> -> memref<10000x40xf32, #tpu.memory_space<vmem_shared>>
        tpu.enqueue_indirect_dma source(%arg8 : memref<128x40xf32, #tpu.memory_space<vmem>>) target(%dma_start3A_119 : memref<10000x40xf32, #tpu.memory_space<vmem_shared>>) offsets(%dma_start3A_116 : memref<128xi32, #tpu.memory_space<vmem>>) semaphore(%run_scoped3A : memref<!tpu.dma_semaphore, #tpu.memory_space<semaphore_mem>>) {add = true}
        %dma_wait3A_120 = arith.constant 0 : i32
        %dma_wait3A_121 = tpu.memref_slice %arg7[%mul3A_85, %dma_wait3A_120] : memref<79x128xi32, #tpu.memory_space<vmem>> -> memref<1x128xi32, #tpu.memory_space<vmem>>
        %dma_wait3A_122 = tpu.memref_squeeze %dma_wait3A_121 : memref<1x128xi32, #tpu.memory_space<vmem>> -> memref<128xi32, #tpu.memory_space<vmem>>
        %dma_wait3A_123 = arith.constant 0 : i32
        %dma_wait3A_124 = arith.constant 0 : i32
        %dma_wait3A_125 = tpu.memref_slice %arg11[%dma_wait3A_123, %dma_wait3A_124] : memref<10000x40xf32, #tpu.memory_space<vmem_shared>> -> memref<10000x40xf32, #tpu.memory_space<vmem_shared>>
        tpu.wait_indirect_dma semaphore(%run_scoped3A : memref<!tpu.dma_semaphore, #tpu.memory_space<semaphore_mem>>) src(%arg8 : memref<128x40xf32, #tpu.memory_space<vmem>>) dst(%dma_wait3A_125 : memref<10000x40xf32, #tpu.memory_space<vmem_shared>>)
        tpu.yield
      }) : () -> ()
      %add3A_102 = arith.constant 2 : i32
      %add3A_103 = arith.addi %mul3A_85, %add3A_102 : i32
      %lt3A = arith.cmpi slt, %add3A_103, %add3A_8 : i32
      %convert_element_type3A_104 = arith.extui %lt3A : i1 to i32
      %cond3A_105 = arith.constant 0 : i32
      %cond3A_106 = arith.cmpi ne, %convert_element_type3A_104, %cond3A_105 : i32
      scf.if %cond3A_106 {
        %add3A_114 = arith.constant 2 : i32
        %add3A_115 = arith.addi %mul3A_85, %add3A_114 : i32
        %dma_start3A_116 = arith.constant 0 : i32
        %dma_start3A_117 = tpu.memref_slice %arg6[%add3A_115, %dma_start3A_116] : memref<79x128xi32, #tpu.memory_space<vmem>> -> memref<1x128xi32, #tpu.memory_space<vmem>>
        %dma_start3A_118 = tpu.memref_squeeze %dma_start3A_117 : memref<1x128xi32, #tpu.memory_space<vmem>> -> memref<128xi32, #tpu.memory_space<vmem>>
        %dma_start3A_119 = arith.constant 0 : i32
        %dma_start3A_120 = arith.constant 0 : i32
        %dma_start3A_121 = tpu.memref_slice %arg10[%dma_start3A_119, %dma_start3A_120] : memref<10000x40xf32, #tpu.memory_space<vmem_shared>> -> memref<10000x40xf32, #tpu.memory_space<vmem_shared>>
        tpu.enqueue_indirect_dma source(%dma_start3A_121 : memref<10000x40xf32, #tpu.memory_space<vmem_shared>>) target(%arg8 : memref<128x40xf32, #tpu.memory_space<vmem>>) offsets(%dma_start3A_118 : memref<128xi32, #tpu.memory_space<vmem>>) semaphore(%arg12 : memref<!tpu.dma_semaphore, #tpu.memory_space<semaphore_mem>>)
      } else {
      }
      %dma_wait3A_107 = arith.constant 0 : i32
      %dma_wait3A_108 = tpu.memref_slice %arg6[%add3A_89, %dma_wait3A_107] : memref<79x128xi32, #tpu.memory_space<vmem>> -> memref<1x128xi32, #tpu.memory_space<vmem>>
      %dma_wait3A_109 = tpu.memref_squeeze %dma_wait3A_108 : memref<1x128xi32, #tpu.memory_space<vmem>> -> memref<128xi32, #tpu.memory_space<vmem>>
      %dma_wait3A_110 = arith.constant 0 : i32
      %dma_wait3A_111 = arith.constant 0 : i32
      %dma_wait3A_112 = tpu.memref_slice %arg10[%dma_wait3A_110, %dma_wait3A_111] : memref<10000x40xf32, #tpu.memory_space<vmem_shared>> -> memref<10000x40xf32, #tpu.memory_space<vmem_shared>>
      tpu.wait_indirect_dma semaphore(%arg13 : memref<!tpu.dma_semaphore, #tpu.memory_space<semaphore_mem>>) src(%dma_wait3A_112 : memref<10000x40xf32, #tpu.memory_space<vmem_shared>>) dst(%arg9 : memref<128x40xf32, #tpu.memory_space<vmem>>)
      "tpu.region"() ({
        %run_scoped3A = tpu.sem_alloc : memref<!tpu.dma_semaphore, #tpu.memory_space<semaphore_mem>>
        %dma_start3A_114 = arith.constant 0 : i32
        %dma_start3A_115 = tpu.memref_slice %arg7[%add3A_89, %dma_start3A_114] : memref<79x128xi32, #tpu.memory_space<vmem>> -> memref<1x128xi32, #tpu.memory_space<vmem>>
        %dma_start3A_116 = tpu.memref_squeeze %dma_start3A_115 : memref<1x128xi32, #tpu.memory_space<vmem>> -> memref<128xi32, #tpu.memory_space<vmem>>
        %dma_start3A_117 = arith.constant 0 : i32
        %dma_start3A_118 = arith.constant 0 : i32
        %dma_start3A_119 = tpu.memref_slice %arg11[%dma_start3A_117, %dma_start3A_118] : memref<10000x40xf32, #tpu.memory_space<vmem_shared>> -> memref<10000x40xf32, #tpu.memory_space<vmem_shared>>
        tpu.enqueue_indirect_dma source(%arg9 : memref<128x40xf32, #tpu.memory_space<vmem>>) target(%dma_start3A_119 : memref<10000x40xf32, #tpu.memory_space<vmem_shared>>) offsets(%dma_start3A_116 : memref<128xi32, #tpu.memory_space<vmem>>) semaphore(%run_scoped3A : memref<!tpu.dma_semaphore, #tpu.memory_space<semaphore_mem>>) {add = true}
        %dma_wait3A_120 = arith.constant 0 : i32
        %dma_wait3A_121 = tpu.memref_slice %arg7[%add3A_89, %dma_wait3A_120] : memref<79x128xi32, #tpu.memory_space<vmem>> -> memref<1x128xi32, #tpu.memory_space<vmem>>
        %dma_wait3A_122 = tpu.memref_squeeze %dma_wait3A_121 : memref<1x128xi32, #tpu.memory_space<vmem>> -> memref<128xi32, #tpu.memory_space<vmem>>
        %dma_wait3A_123 = arith.constant 0 : i32
        %dma_wait3A_124 = arith.constant 0 : i32
        %dma_wait3A_125 = tpu.memref_slice %arg11[%dma_wait3A_123, %dma_wait3A_124] : memref<10000x40xf32, #tpu.memory_space<vmem_shared>> -> memref<10000x40xf32, #tpu.memory_space<vmem_shared>>
        tpu.wait_indirect_dma semaphore(%run_scoped3A : memref<!tpu.dma_semaphore, #tpu.memory_space<semaphore_mem>>) src(%arg9 : memref<128x40xf32, #tpu.memory_space<vmem>>) dst(%dma_wait3A_125 : memref<10000x40xf32, #tpu.memory_space<vmem_shared>>)
        tpu.yield
      }) : () -> ()
      %scan3A_113 = arith.constant 0 : i32
      scf.yield %scan3A_113 : i32
    }
    %scan3A_71 = arith.constant 39 : i32
    %eq3A = arith.constant 79 : i32
    %eq3A_72 = arith.cmpi eq, %add3A_8, %eq3A : i32
    %convert_element_type3A_73 = arith.extui %eq3A_72 : i1 to i32
    %cond3A = arith.constant 0 : i32
    %cond3A_74 = arith.cmpi ne, %convert_element_type3A_73, %cond3A : i32
    scf.if %cond3A_74 {
      %dma_wait3A_82 = arith.constant 78 : i32
      %dma_wait3A_83 = arith.constant 0 : i32
      %dma_wait3A_84 = tpu.memref_slice %arg6[%dma_wait3A_82, %dma_wait3A_83] : memref<79x128xi32, #tpu.memory_space<vmem>> -> memref<1x128xi32, #tpu.memory_space<vmem>>
      %dma_wait3A_85 = tpu.memref_squeeze %dma_wait3A_84 : memref<1x128xi32, #tpu.memory_space<vmem>> -> memref<128xi32, #tpu.memory_space<vmem>>
      %dma_wait3A_86 = arith.constant 0 : i32
      %dma_wait3A_87 = arith.constant 0 : i32
      %dma_wait3A_88 = tpu.memref_slice %arg10[%dma_wait3A_86, %dma_wait3A_87] : memref<10000x40xf32, #tpu.memory_space<vmem_shared>> -> memref<10000x40xf32, #tpu.memory_space<vmem_shared>>
      tpu.wait_indirect_dma semaphore(%arg12 : memref<!tpu.dma_semaphore, #tpu.memory_space<semaphore_mem>>) src(%dma_wait3A_88 : memref<10000x40xf32, #tpu.memory_space<vmem_shared>>) dst(%arg8 : memref<128x40xf32, #tpu.memory_space<vmem>>)
      %run_scoped3A = arith.constant 78 : i32
      "tpu.region"() ({
        %run_scoped3A_89 = tpu.sem_alloc : memref<!tpu.dma_semaphore, #tpu.memory_space<semaphore_mem>>
        %dma_start3A_90 = arith.constant 0 : i32
        %dma_start3A_91 = tpu.memref_slice %arg7[%run_scoped3A, %dma_start3A_90] : memref<79x128xi32, #tpu.memory_space<vmem>> -> memref<1x128xi32, #tpu.memory_space<vmem>>
        %dma_start3A_92 = tpu.memref_squeeze %dma_start3A_91 : memref<1x128xi32, #tpu.memory_space<vmem>> -> memref<128xi32, #tpu.memory_space<vmem>>
        %dma_start3A_93 = arith.constant 0 : i32
        %dma_start3A_94 = arith.constant 0 : i32
        %dma_start3A_95 = tpu.memref_slice %arg11[%dma_start3A_93, %dma_start3A_94] : memref<10000x40xf32, #tpu.memory_space<vmem_shared>> -> memref<10000x40xf32, #tpu.memory_space<vmem_shared>>
        tpu.enqueue_indirect_dma source(%arg8 : memref<128x40xf32, #tpu.memory_space<vmem>>) target(%dma_start3A_95 : memref<10000x40xf32, #tpu.memory_space<vmem_shared>>) offsets(%dma_start3A_92 : memref<128xi32, #tpu.memory_space<vmem>>) semaphore(%run_scoped3A_89 : memref<!tpu.dma_semaphore, #tpu.memory_space<semaphore_mem>>) {add = true}
        %dma_wait3A_96 = arith.constant 0 : i32
        %dma_wait3A_97 = tpu.memref_slice %arg7[%run_scoped3A, %dma_wait3A_96] : memref<79x128xi32, #tpu.memory_space<vmem>> -> memref<1x128xi32, #tpu.memory_space<vmem>>
        %dma_wait3A_98 = tpu.memref_squeeze %dma_wait3A_97 : memref<1x128xi32, #tpu.memory_space<vmem>> -> memref<128xi32, #tpu.memory_space<vmem>>
        %dma_wait3A_99 = arith.constant 0 : i32
        %dma_wait3A_100 = arith.constant 0 : i32
        %dma_wait3A_101 = tpu.memref_slice %arg11[%dma_wait3A_99, %dma_wait3A_100] : memref<10000x40xf32, #tpu.memory_space<vmem_shared>> -> memref<10000x40xf32, #tpu.memory_space<vmem_shared>>
        tpu.wait_indirect_dma semaphore(%run_scoped3A_89 : memref<!tpu.dma_semaphore, #tpu.memory_space<semaphore_mem>>) src(%arg8 : memref<128x40xf32, #tpu.memory_space<vmem>>) dst(%dma_wait3A_101 : memref<10000x40xf32, #tpu.memory_space<vmem_shared>>)
        tpu.yield
      }) : () -> ()
    } else {
    }
    %barrier3A_75 = arith.constant 0 : index
    tpu.barrier barrier_id(%barrier3A_75)
    %mul3A_76 = arith.constant 625 : i32
    %mul3A_77 = arith.muli %arg1, %mul3A_76 : i32
    %mul3A_78 = arith.constant 625 : i32
    %mul3A_79 = arith.muli %arg1, %mul3A_78 : i32
    %mul3A_80 = arith.constant 40 : i32
    %mul3A_81 = arith.muli %arg0, %mul3A_80 : i32
    "tpu.region"() ({
      %run_scoped3A = tpu.sem_alloc : memref<!tpu.dma_semaphore, #tpu.memory_space<semaphore_mem>>
      %dma_start3A_82 = tpu.memref_slice %arg5[%mul3A_79, %mul3A_81] : memref<10000x128xf32, #tpu.memory_space<hbm>> -> memref<625x40xf32, #tpu.memory_space<hbm>>
      %dma_start3A_83 = arith.constant 0 : i32
      %dma_start3A_84 = tpu.memref_slice %arg11[%mul3A_77, %dma_start3A_83] : memref<10000x40xf32, #tpu.memory_space<vmem_shared>> -> memref<625x40xf32, #tpu.memory_space<vmem_shared>>
      tpu.enqueue_dma source(%dma_start3A_84 : memref<625x40xf32, #tpu.memory_space<vmem_shared>>) target(%dma_start3A_82 : memref<625x40xf32, #tpu.memory_space<hbm>>) target_semaphore(%run_scoped3A : memref<!tpu.dma_semaphore, #tpu.memory_space<semaphore_mem>>)
      %dma_wait3A_85 = tpu.memref_slice %arg5[%mul3A_79, %mul3A_81] : memref<10000x128xf32, #tpu.memory_space<hbm>> -> memref<625x40xf32, #tpu.memory_space<hbm>>
      %dma_wait3A_86 = arith.constant 0 : i32
      %dma_wait3A_87 = tpu.memref_slice %arg11[%mul3A_77, %dma_wait3A_86] : memref<10000x40xf32, #tpu.memory_space<vmem_shared>> -> memref<625x40xf32, #tpu.memory_space<vmem_shared>>
      tpu.wait_dma2 semaphore(%run_scoped3A : memref<!tpu.dma_semaphore, #tpu.memory_space<semaphore_mem>>) src(%dma_wait3A_87 : memref<625x40xf32, #tpu.memory_space<vmem_shared>>) dst(%dma_wait3A_85 : memref<625x40xf32, #tpu.memory_space<hbm>>)
      tpu.yield
    }) : () -> ()
    return
  }
}

module attributes {stable_mosaic.version = 14 : i64} {
  func.func @_stage_a_body(%arg0: memref<10000x128xf32, #tpu.memory_space<vmem>>, %arg1: memref<128x16xf32, #tpu.memory_space<vmem>>, %arg2: memref<10000x128xf32, #tpu.memory_space<vmem>>) attributes {dimension_semantics = [], scalar_prefetch = 0 : i64, scratch_operands = 0 : i64, tpu.core_type = #tpu.core_type<tc>} {
    %get3A = arith.constant 0 : index
    %get3A_0 = arith.constant 0 : index
    %get3A_1 = vector.load %arg0[%get3A, %get3A_0] : memref<10000x128xf32, #tpu.memory_space<vmem>>, vector<10000x128xf32>
    %get3A_2 = arith.constant 0 : index
    %get3A_3 = arith.constant 0 : index
    %get3A_4 = vector.load %arg1[%get3A_2, %get3A_3] : memref<128x16xf32, #tpu.memory_space<vmem>>, vector<128x16xf32>
    %dot_general3A = arith.constant dense<0.000000e+00> : vector<10000x16xf32>
    %dot_general3A_5 = tpu.matmul %get3A_1, %get3A_4, %dot_general3A {dimension_numbers = #tpu.dot_dimension_numbers<[1], [0], [0], [1], [0, 0, 1, 1], [], []>, transpose_lhs_hint = false} : vector<10000x128xf32>, vector<128x16xf32>, vector<10000x16xf32> -> vector<10000x16xf32>
    %swap3A = arith.constant 0 : index
    %swap3A_6 = arith.constant 0 : index
    %swap3A_7 = vector.load %arg2[%swap3A, %swap3A_6] : memref<10000x128xf32, #tpu.memory_space<vmem>>, vector<10000x16xf32>
    tpu.vector_store %arg2[%swap3A, %swap3A_6], %dot_general3A_5 {strides = array<i32>} : memref<10000x128xf32, #tpu.memory_space<vmem>>, vector<10000x16xf32>,
    return
  }
}

module attributes {stable_mosaic.version = 14 : i64} {
  func.func @_stage_b_body(%arg0: memref<10000x128xf32, #tpu.memory_space<vmem>>, %arg1: memref<10000x128xf32, #tpu.memory_space<vmem>>, %arg2: memref<10000x1xf32, #tpu.memory_space<vmem>>, %arg3: memref<1x16xf32, #tpu.memory_space<vmem>>, %arg4: memref<16x40xf32, #tpu.memory_space<vmem>>, %arg5: memref<10000x128xf32, #tpu.memory_space<vmem>>) attributes {dimension_semantics = [], scalar_prefetch = 0 : i64, scratch_operands = 0 : i64, tpu.core_type = #tpu.core_type<tc>} {
    %get3A = arith.constant 0 : index
    %get3A_0 = arith.constant 0 : index
    %get3A_1 = vector.load %arg2[%get3A, %get3A_0] : memref<10000x1xf32, #tpu.memory_space<vmem>>, vector<10000x1xf32>
    %get3A_2 = arith.constant 0 : index
    %get3A_3 = arith.constant 0 : index
    %get3A_4 = vector.load %arg0[%get3A_2, %get3A_3] : memref<10000x128xf32, #tpu.memory_space<vmem>>, vector<10000x16xf32>
    %get3A_5 = arith.constant 0 : index
    %get3A_6 = arith.constant 16 : index
    %get3A_7 = vector.load %arg0[%get3A_5, %get3A_6] : memref<10000x128xf32, #tpu.memory_space<vmem>>, vector<10000x16xf32>
    %add3A = arith.addf %get3A_4, %get3A_7 : vector<10000x16xf32>
    %get3A_8 = arith.constant 0 : index
    %get3A_9 = arith.constant 0 : index
    %get3A_10 = vector.load %arg1[%get3A_8, %get3A_9] : memref<10000x128xf32, #tpu.memory_space<vmem>>, vector<10000x16xf32>
    %mul3A = vector.broadcast %get3A_1 : vector<10000x1xf32> to vector<10000x16xf32>
    %mul3A_11 = arith.mulf %get3A_10, %mul3A : vector<10000x16xf32>
    %add3A_12 = arith.addf %add3A, %mul3A_11 : vector<10000x16xf32>
    %mul3A_13 = vector.broadcast %get3A_1 : vector<10000x1xf32> to vector<10000x16xf32>
    %mul3A_14 = arith.mulf %add3A_12, %mul3A_13 : vector<10000x16xf32>
    %get3A_15 = arith.constant 0 : index
    %get3A_16 = arith.constant 0 : index
    %get3A_17 = vector.load %arg3[%get3A_15, %get3A_16] : memref<1x16xf32, #tpu.memory_space<vmem>>, vector<1x16xf32>
    %add3A_18 = vector.broadcast %get3A_17 : vector<1x16xf32> to vector<10000x16xf32>
    %add3A_19 = arith.addf %mul3A_14, %add3A_18 : vector<10000x16xf32>
    %max3A = arith.constant 0.000000e+00 : f32
    %max3A_20 = vector.broadcast %max3A : f32 to vector<10000x16xf32>
    %max3A_21 = arith.maximumf %add3A_19, %max3A_20 : vector<10000x16xf32>
    %get3A_22 = arith.constant 0 : index
    %get3A_23 = arith.constant 0 : index
    %get3A_24 = vector.load %arg4[%get3A_22, %get3A_23] : memref<16x40xf32, #tpu.memory_space<vmem>>, vector<16x40xf32>
    %dot_general3A = arith.constant dense<0.000000e+00> : vector<10000x40xf32>
    %dot_general3A_25 = tpu.matmul %max3A_21, %get3A_24, %dot_general3A {dimension_numbers = #tpu.dot_dimension_numbers<[1], [0], [0], [1], [0, 0, 1, 1], [], []>, transpose_lhs_hint = false} : vector<10000x16xf32>, vector<16x40xf32>, vector<10000x40xf32> -> vector<10000x40xf32>
    %mul3A_26 = vector.broadcast %get3A_1 : vector<10000x1xf32> to vector<10000x40xf32>
    %mul3A_27 = arith.mulf %dot_general3A_25, %mul3A_26 : vector<10000x40xf32>
    %swap3A = arith.constant 0 : index
    %swap3A_28 = arith.constant 0 : index
    %swap3A_29 = vector.load %arg5[%swap3A, %swap3A_28] : memref<10000x128xf32, #tpu.memory_space<vmem>>, vector<10000x40xf32>
    tpu.vector_store %arg5[%swap3A, %swap3A_28], %mul3A_27 {strides = array<i32>} : memref<10000x128xf32, #tpu.memory_space<vmem>>, vector<10000x40xf32>,
    return
  }
}

module attributes {stable_mosaic.version = 14 : i64} {
  func.func @_stage_c_body(%arg0: memref<10000x128xf32, #tpu.memory_space<vmem>>, %arg1: memref<10000x128xf32, #tpu.memory_space<vmem>>, %arg2: memref<10000x1xf32, #tpu.memory_space<vmem>>, %arg3: memref<1x40xf32, #tpu.memory_space<vmem>>, %arg4: memref<40x10000xf32, #tpu.memory_space<vmem>>) attributes {dimension_semantics = [], scalar_prefetch = 0 : i64, scratch_operands = 0 : i64, tpu.core_type = #tpu.core_type<tc>} {
    %get3A = arith.constant 0 : index
    %get3A_0 = arith.constant 0 : index
    %get3A_1 = vector.load %arg0[%get3A, %get3A_0] : memref<10000x128xf32, #tpu.memory_space<vmem>>, vector<10000x40xf32>
    %get3A_2 = arith.constant 0 : index
    %get3A_3 = arith.constant 40 : index
    %get3A_4 = vector.load %arg0[%get3A_2, %get3A_3] : memref<10000x128xf32, #tpu.memory_space<vmem>>, vector<10000x40xf32>
    %add3A = arith.addf %get3A_1, %get3A_4 : vector<10000x40xf32>
    %get3A_5 = arith.constant 0 : index
    %get3A_6 = arith.constant 0 : index
    %get3A_7 = vector.load %arg1[%get3A_5, %get3A_6] : memref<10000x128xf32, #tpu.memory_space<vmem>>, vector<10000x40xf32>
    %add3A_8 = arith.addf %add3A, %get3A_7 : vector<10000x40xf32>
    %get3A_9 = arith.constant 0 : index
    %get3A_10 = arith.constant 0 : index
    %get3A_11 = vector.load %arg2[%get3A_9, %get3A_10] : memref<10000x1xf32, #tpu.memory_space<vmem>>, vector<10000x1xf32>
    %mul3A = vector.broadcast %get3A_11 : vector<10000x1xf32> to vector<10000x40xf32>
    %mul3A_12 = arith.mulf %add3A_8, %mul3A : vector<10000x40xf32>
    %get3A_13 = arith.constant 0 : index
    %get3A_14 = arith.constant 0 : index
    %get3A_15 = vector.load %arg3[%get3A_13, %get3A_14] : memref<1x40xf32, #tpu.memory_space<vmem>>, vector<1x40xf32>
    %add3A_16 = vector.broadcast %get3A_15 : vector<1x40xf32> to vector<10000x40xf32>
    %add3A_17 = arith.addf %mul3A_12, %add3A_16 : vector<10000x40xf32>
    %reduce_max3A = arith.constant dense<0xFF800000> : vector<10000xf32>
    %reduce_max3A_18 = vector.multi_reduction <maximumf>, %add3A_17, %reduce_max3A [1] : vector<10000x40xf32> to vector<10000xf32>
    %broadcast_in_dim3A = vector.shape_cast %reduce_max3A_18 : vector<10000xf32> to vector<10000x1xf32>
    %sub3A = vector.broadcast %broadcast_in_dim3A : vector<10000x1xf32> to vector<10000x40xf32>
    %sub3A_19 = arith.subf %add3A_17, %sub3A : vector<10000x40xf32>
    %exp3A = math.exp %sub3A_19 : vector<10000x40xf32>
    %reduce_sum3A = arith.constant dense<0.000000e+00> : vector<10000xf32>
    %reduce_sum3A_20 = vector.multi_reduction <add>, %exp3A, %reduce_sum3A [1] : vector<10000x40xf32> to vector<10000xf32>
    %broadcast_in_dim3A_21 = vector.shape_cast %reduce_sum3A_20 : vector<10000xf32> to vector<10000x1xf32>
    %sub3A_22 = vector.broadcast %broadcast_in_dim3A : vector<10000x1xf32> to vector<10000x40xf32>
    %sub3A_23 = arith.subf %add3A_17, %sub3A_22 : vector<10000x40xf32>
    %log3A = math.log %broadcast_in_dim3A_21 : vector<10000x1xf32>
    %sub3A_24 = vector.broadcast %log3A : vector<10000x1xf32> to vector<10000x40xf32>
    %sub3A_25 = arith.subf %sub3A_23, %sub3A_24 : vector<10000x40xf32>
    %transpose3A = tpu.transpose %sub3A_25, [1, 0] : vector<10000x40xf32> -> vector<40x10000xf32>
    %swap3A = arith.constant 0 : index
    %swap3A_26 = arith.constant 0 : index
    %swap3A_27 = vector.load %arg4[%swap3A, %swap3A_26] : memref<40x10000xf32, #tpu.memory_space<vmem>>, vector<40x10000xf32>
    tpu.vector_store %arg4[%swap3A, %swap3A_26], %transpose3A {strides = array<i32>} : memref<40x10000xf32, #tpu.memory_space<vmem>>, vector<40x10000xf32>,
    return
  }
}

</mosaic_0001>

<sc_bundles>
// kernel: kernel.11.cloned.1.call-start
scs
__scs_entry_jumppad:
0x0: {  	(pc) =	sbr.rel $0x88, $3  }
0x1: {  	(tag) =	ssettag $0x0;
	lr =	simm.s32 $0x1  }
0x2: {  	[smem:$0x3F9B] =	sst lr;
	_ =	strace $0xD0000000  }
0x3: {  	_ = 	snop  }
0x4: {  	_ = 	snop  }
0x5: {  	_ = 	snop  }
0x6: {  	_ = 	snop  }
0x7: {  	_ = 	snop  }
__scs_overlays_trampoline_lowered:
0x8: {  	[smem:$0x3FAA] =	sst s0  }
0x9: {  	[smem:$0x3FAB] =	sst s1  }
0xa: {  	[smem:$0x3FAC] =	sst s2  }
0xb: {  	[smem:$0x3FAD] =	sst s3  }
0xc: {  	[smem:$0x3FAE] =	sst s4  }
0xd: {  	[smem:$0x3FAF] =	sst s5  }
0xe: {  	[smem:$0x3FB0] =	sst s6  }
0xf: {  	[smem:$0x3FB1] =	sst s7  }
0x10: {  	[smem:$0x3FB2] =	sst s8  }
0x11: {  	[smem:$0x3FB3] =	sst s9;
	s0 =	simm.s32 @!p0 $0x0  }
0x12: {  	s1 =	sld [smem:$0x3F99];
	s0 =	simm.s32 @p0 $0x1  }
0x13: {  	[smem:$0x3FB4] =	sst s0;
	s0 =	simm.s32 @!p1 $0x0  }
0x14: {  	s2 =	sld [smem:$0x3F98];
	s0 =	simm.s32 @p1 $0x1  }
0x15: {  	[smem:$0x3FB5] =	sst s0;
	s0 =	simm.s32 @!p2 $0x0  }
0x16: {  	s3 =	sld [smem:$0x3FDB];
	s0 =	simm.s32 @p2 $0x1  }
0x17: {  	s4 =	simm.s32 $0x1BF5;
	[smem:$0x3FB7] =	sst s0  }
0x18: {  	s0 =	sld [smem:$0x3F9A];
	_ =	swait.ge [sflag:s4], $0x0  }
0x19: {  	s7 =	sld [smem:$0x3F9B]  }
0x1a: {  	s8 =	sadd.s32 $0xFFFFE003, lr  }
0x1b: {  	s9 =	sadd.s32 $0xFFFFFEF7, lr;
	s5 =	simm.s32 $0xFFFFFFFF;
	p2 =	slt.u32 s8, $0xFFFFF086  }
0x1c: {  	p1 =	slt.u32 s9, $0xF7A;
	s5 =	simm.s32 @!p2 $0x0  }
0x1d: {  	s5 =	simm.s32 @p1 $0x1;
	p0 =	seq.s32 s7, s2  }
0x1e: {  	s7 =	smul.u32 @!p0 $0xF7A, s2;
	p2 =	seq.s32 @!p0 s5, $0x0  }
0x1f: {  	s9 =	smul.u32 $0xF7A, s1;
	s8 =	simm.s32 @!p0 $0x1BF5;
	p2 =	por !p2, p0  }
0x20: {  	[sflag:s8] =	ssyncset.s32 @!p0 $0xFFFFF086;
	s6 =	sadd.s32 @!p0 s3, s7;
	s7 =	simm.s32 @!p0 $0x108  }
0x21: {  	s3 =	sadd.s32 s3, s9;
	s6 =	sadd.s32 @!p0 $0x88, s6;
	s7 =	simm.s32 @p2 $0x1082  }
0x22: {  	[simem:s7], [sflag:s8] =	dma.local @!p0 [hbm:s6], $0xF7A  }
0x23: {  	s9 =	sor.u32 $0xD0000000, s2;
	s6 =	simm.s32 $0x108;
	_ =	swait.ge @!p0 [sflag:s8], $0x0  }
0x24: {  	s3 =	sadd.s32 $0x88, s3;
	s6 =	simm.s32 @!p1 $0x1082;
	[sflag:s4] =	ssyncset.s32 $0xFFFFF086  }
0x25: {  	[simem:s6], [sflag:s4] =	dma.local [hbm:s3], $0xF7A  }
0x26: {  	[smem:$0x3F9B] =	sst s1;
	(tag) =	ssettag s2;
	_ =	strace s9  }
0x27: {  	s1 =	sld [smem:$0x3FAB]  }
0x28: {  	s2 =	sld [smem:$0x3FAC]  }
0x29: {  	s4 =	sld [smem:$0x3FAE]  }
0x2a: {  	p0 =	seq.s32 s5, $0x0;
	s5 =	sld [smem:$0x3FAF]  }
0x2b: {  	s6 =	sld [smem:$0x3FB0]  }
0x2c: {  	s7 =	sld [smem:$0x3FB1]  }
0x2d: {  	s3 =	simm.s32 $0x108;
	s8 =	sld [smem:$0x3FB2]  }
0x2e: {  	s3 =	simm.s32 @!p0 $0x1082;
	s9 =	sld [smem:$0x3FB3]  }
0x2f: {  	lr =	sadd.s32 s0, s3;
	s0 =	sld [smem:$0x3FAA]  }
0x30: {  	s3 =	sld [smem:$0x3FAD]  }
0x31: {  	[smem:$0x3FB6] =	sst s10  }
0x32: {  	s10 =	sld [smem:$0x3FB4];
	_ =	sdelay $0x3  }
0x33: {  	p0 =	seq.s32 s10, $0x1;
	s10 =	sld [smem:$0x3FB6];
	_ =	sdelay $0x3  }
0x34: {  	[smem:$0x3FB6] =	sst s10  }
0x35: {  	s10 =	sld [smem:$0x3FB5];
	_ =	sdelay $0x3  }
0x36: {  	p1 =	seq.s32 s10, $0x1;
	s10 =	sld [smem:$0x3FB6];
	_ =	sdelay $0x3  }
0x37: {  	[smem:$0x3FB6] =	sst s10  }
0x38: {  	s10 =	sld [smem:$0x3FB7]  }
0x39: {  	_ = 	snop;
	(pc) =	sbr.ind lr, $3  }
0x3a: {  	_ = 	snop  }
0x3b: {  	_ = 	snop  }
0x3c: {  	p2 =	seq.s32 s10, $0x1;
	s10 =	sld [smem:$0x3FB6]  }
0x3d: {  	_ =	shalt  }
0x3e: {  	_ =	shalt  }
0x3f: {  	_ =	shalt  }
0x40: {  	_ =	shalt  }
0x41: {  	_ =	shalt  }
0x42: {  	_ =	shalt  }
0x43: {  	_ =	shalt  }
0x44: {  	_ =	shalt  }
0x45: {  	_ =	shalt  }
0x46: {  	_ =	shalt  }
0x47: {  	_ =	shalt  }
0x48: {  	_ =	shalt  }
0x49: {  	_ =	shalt  }
0x4a: {  	_ =	shalt  }
0x4b: {  	_ =	shalt  }
0x4c: {  	_ =	shalt  }
0x4d: {  	_ =	shalt  }
0x4e: {  	_ =	shalt  }
0x4f: {  	_ =	shalt  }
0x50: {  	_ =	shalt  }
0x51: {  	_ =	shalt  }
0x52: {  	_ =	shalt  }
0x53: {  	_ =	shalt  }
0x54: {  	_ =	shalt  }
0x55: {  	_ =	shalt  }
0x56: {  	_ =	shalt  }
0x57: {  	_ =	shalt  }
0x58: {  	_ =	shalt  }
0x59: {  	_ =	shalt  }
0x5a: {  	_ =	shalt  }
0x5b: {  	_ =	shalt  }
0x5c: {  	_ =	shalt  }
0x5d: {  	_ =	shalt  }
0x5e: {  	_ =	shalt  }
0x5f: {  	_ =	shalt  }
0x60: {  	_ =	shalt  }
0x61: {  	_ =	shalt  }
0x62: {  	_ =	shalt  }
0x63: {  	_ =	shalt  }
0x64: {  	_ =	shalt  }
0x65: {  	_ =	shalt  }
0x66: {  	_ =	shalt  }
0x67: {  	_ =	shalt  }
0x68: {  	_ =	shalt  }
0x69: {  	_ =	shalt  }
0x6a: {  	_ =	shalt  }
0x6b: {  	_ =	shalt  }
0x6c: {  	_ =	shalt  }
0x6d: {  	_ =	shalt  }
0x6e: {  	_ =	shalt  }
0x6f: {  	_ =	shalt  }
0x70: {  	_ =	shalt  }
0x71: {  	_ =	shalt  }
0x72: {  	_ =	shalt  }
0x73: {  	_ =	shalt  }
0x74: {  	_ =	shalt  }
0x75: {  	_ =	shalt  }
0x76: {  	_ =	shalt  }
0x77: {  	_ =	shalt  }
0x78: {  	_ =	shalt  }
0x79: {  	_ =	shalt  }
0x7a: {  	_ =	shalt  }
0x7b: {  	_ =	shalt  }
0x7c: {  	_ =	shalt  }
0x7d: {  	_ =	shalt  }
0x7e: {  	_ =	shalt  }
0x7f: {  	_ =	shalt  }
0x80: {  	_ =	shalt  }
0x81: {  	_ =	shalt  }
0x82: {  	_ =	shalt  }
0x83: {  	_ =	shalt  }
0x84: {  	_ =	shalt  }
0x85: {  	_ =	shalt  }
0x86: {  	_ =	shalt  }
0x87: {  	_ =	shalt  }
.Lfunc_end0:
.L_simem_size_0:
called_computation.1_lowered:
.L_overlay_start_0:
0x88: {  	s2 =	sld [smem:$0x3FD9]  }
0x89: {  	s3 =	sld [smem:$0x3FFE];
	_ =	sdelay $0x1  }
0x8a: {  	s1 =	srdreg.scid  }
0x8b: {  	s0 =	sand.u32 $0x1, s1  }
0x8c: {  	s17 =	sshll.u32 s0, $0xA;
	s2 =	sadd.s32 s3, s2  }
0x8d: {  	s2 =	sadd.s32 s2, s17  }
0x8e: {  	[smem:$0x3FC2] =	sst s2  }
0x8f: {  	_ = 	snop  }
0x90: {  	s2 =	sld [smem:$0x3FC8]  }
0x91: {  	s18 =	sld [smem:$0x3FD0];
	(tm) =	ssettm $0x1  }
0x92: {  	s4 =	sld [smem:$0x3FFB];
	_ =	sdelay $0x3  }
0x93: {  	_ =	strace s4  }
0x94: {  	s4 =	sld [smem:$0x3FFC];
	_ =	sdelay $0x3  }
0x95: {  	_ =	strace s4  }
0x96: {  	s4 =	sld [smem:$0x3FFD];
	_ =	sdelay $0x3  }
0x97: {  	_ =	strace s4  }
0x98: {  	_ =	strace $0x8FFFFFFF  }
0x99: {  	s19 =	sld [smem:$0x3FDB];
	_ =	sdelay $0x1  }
0x9a: {  	s5 =	simm.s32 $_scs_section_size  }
0x9b: {  	s6 =	simm.s32 $_size__tile_overlayer_lowered;
	s7 =	simm.s32 $_tile_overlayer_lowered  }
0x9c: {  	s22 =	simm.s32 $0x1BFF;
	s21 =	sshll.u32 s7, $0x1;
	s4 =	sadd.s32 s5, s19  }
0x9d: {  	s8 =	simm.s32 $0x0;
	s20 =	sshll.u32 s6, $0x1;
	s6 =	sadd.s32 s21, s4  }
0x9e: {  	[timem:s8], [sflag:s22] =	dma.local [hbm:s6], s20  }
0x9f: {  	_ =	swait.ge [sflag:s22], s20  }
0xa0: {  	s5 =	ssub.s32 $0x0, s20;
	[sflag:s22] =	ssyncset.done $0x0  }
0xa1: {  	[sflag:s22] =	ssyncadd.s32 s5;
	_ =	sdelay $0x1  }
0xa2: {  	s23 =	simm.s32 $0x1B8B  }
0xa3: {  	_ =	swait.ge [sflag:s23], $0x1  }
0xa4: {  	[sflag:s23] =	ssyncset.done $0x0  }
0xa5: {  	s25 =	simm.s32 $0x1B8E;
	s24 =	sld [smem:$0x3FFE];
	[sflag:s23] =	ssyncadd.s32 $0xFFFFFFFF  }
0xa6: {  	s26 =	simm.s32 $execute0_lowered;
	[smem:$0x3FD2] =	sst s25  }
0xa7: {  	s6 =	sshll.u32 s26, $0x1;
	_ =	strace $0x80000049;
	[dreg:$0x1] =	wrdreg $0xFFFFFFFF  }
0xa8: {  	s28 =	simm.s32 $_size_execute0_lowered;
	s4 =	sadd.s32 s4, s6;
	[dreg:$0x0] =	wrdreg $0x0  }
0xa9: {  	s6 =	sshll.u32 s28, $0x1;
	[dreg:$0x2] =	wrdreg s4  }
0xaa: {  	[dreg:$0x3] =	wrdreg s6  }
0xab: {  	[dreg:$0x4] =	wrdreg $0xC0  }
0xac: {  	_ =	task [dreg:s8], $0x5FFFF  }
0xad: {  	[dreg:$0x1] =	wrdreg $0xFFFFFFFF  }
0xae: {  	[dreg:$0x0] =	wrdreg $0x60  }
0xaf: {  	[dreg:$0x2] =	wrdreg s24  }
0xb0: {  	[dreg:$0x3] =	wrdreg s18  }
0xb1: {  	[dreg:$0x4] =	wrdreg s2  }
0xb2: {  	[dreg:$0x5] =	wrdreg $0x86100  }
0xb3: {  	[dreg:$0x6] =	wrdreg $0x5F000  }
0xb4: {  	[dreg:$0x7] =	wrdreg $0x9  }
0xb5: {  	_ =	task.clear_ibuf [dreg:s8], $0x8FFFF;
	_ =	strace $0x90000049  }
0xb6: {  	s29 =	simm.s32 $0x9;
	_ =	strace $0x8000004B  }
0xb7: {  	_ =	swait.ge [sflag:s29], $0x1  }
0xb8: {  	[sflag:s29] =	ssyncadd.s32 $0xFFFFFFFF  }
0xb9: {  	_ =	strace $0x9000004B  }
0xba: {  	_ =	sfence  }
0xbb: {  	s30 =	sld [smem:$0x0];
	_ =	sdelay $0x2  }
0xbc: {  	s31 =	sshll.u32 s1, $0xD;
	s1 =	sshrl.u32 s1, $0x2  }
0xbd: {  	s3 =	sand.u32 $0x4000, s31;
	s1 =	sadd.s32 s1, s30  }
0xbe: {  	s0 =	sor.u32 s3, s0;
	s1 =	sshll.u32 s1, $0x11  }
0xbf: {  	s0 =	sor.u32 s1, s0  }
0xc0: {  	s0 =	sadd.s32 $0x8F2B, s0  }
0xc1: {  	[sflag:s0] =	ssyncadd.remote.s32 $0x1  }
0xc2: {  	_ =	sfence.sel $0xFFFF  }
0xc3: {  	[dreg:$0x0] =	wrdreg $0xFFFFFFFF;
	(pc) =	sbr.abs _section_cstart, $3  }
0xc4: {  	[dreg:$0x1] =	wrdreg $0xFFFFFFFF  }
0xc5: {  	_ =	task.clear_ibuf [dreg:s8], $0x2FFFF;
	_ =	strace $0x9FFFFFFF  }
0xc6: {  	(tm) =	ssettm $0x7FFFFFFF  }
0xc7: {  	_ =	shalt  }
tec
execute0_lowered:
.L_overlay_start_1:
0x0: {  	(tag) =	ssettag $0x1  }
0x1: {  	s0 =	rddreg [dreg:$0x0]  }
0x2: {  	s1 =	rddreg [dreg:$0x1]  }
0x3: {  	s8 =	rddreg [dreg:$0x2]  }
0x4: {  	s2 =	rddreg [dreg:$0x3]  }
0x5: {  	s3 =	rddreg [dreg:$0x4];
	s15 =	stileid.u32  }
0x6: {  	s4 =	simm.s32 $0x0;
	s5 =	srdreg.scid;
	s18 =	simm.s32 $0x80  }
0x7: {  	s19 =	simm.s32 $0x100;
	s21 =	simm.s32 $0x10;
	s28 =	simm.s32 $0x5700  }
0x8: {  	s29 =	simm.s32 $0x2;
	s30 =	simm.s32 $0x0;
	s6 =	smul.u32 $0x13880, s15  }
0x9: {  	[smem:$0x7FF] =	sst s4;
	s7 =	sand.u32 $0x1, s5;
	s14 =	smul.u32 $0x2710, s15  }
0xa: {  	s23 =	sadd.s32 $0x29C00, s0;
	s13 =	smul.u32 $0x271, s15;
	_ =	strace $0x8000004A  }
0xb: {  	s9 =	sshll.u32 s7, $0x4;
	[dreg:$0x6] =	wrdreg s23;
	s7 =	ssub.s32 $0x2, s7  }
0xc: {  	s23 =	simm.s32 $0xD430;
	s22 =	sshrl.u32 s6, $0x3;
	s20 =	sor.u32 s15, s9  }
0xd: {  	s6 =	sor.u32 s9, s6;
	s10 =	sshrl.u32 s7, $0x1;
	s17 =	sadd.s32 s14, s2  }
0xe: {  	s14 =	sadd.s32 s14, s3;
	s11 =	sadd.s32 s22, s0;
	s24 =	smul.u32 $0x4E, s20  }
0xf: {  	s6 =	sshrl.u32 s6, $0x3;
	s12 =	smax.u32 s20, $0x1C;
	s16 =	ssub.s32 s7, s10  }
0x10: {  	p0 =	sgt.u32 s20, $0x1B;
	s7 =	sshll.u32 s15, $0x6;
	s17 =	sshrl.u32 s17, $0x3  }
0x11: {  	s22 =	simm.s32 $0xAD20;
	s0 =	sadd.s32 s6, s0;
	s6 =	simm.s32 $0x4F  }
0x12: {  	s31 =	sor.u32 $0x1C01, s7;
	s11 =	sadd.s32 $0x2A00, s11;
	s16 =	smax.u32 s16, $0x1  }
0x13: {  	s25 =	sadd.s32 s24, s12;
	s6 =	simm.s32 @!p0 $0x4E;
	[dreg:$0x7] =	wrdreg s31  }
0x14: {  	s12 =	sand.u32 $0x7, s13;
	s13 =	sshrl.u32 s13, $0x3;
	s15 =	sadd.s32 $0x2A200, s0  }
0x15: {  	s24 =	simm.s32 $0x3;
	p0 =	slt.u32 s20, $0x1C;
	s9 =	sshll.u32 s25, $0x5  }
0x16: {  	s13 =	sadd.s32 s1, s13;
	s25 =	simm.s32 $0x1;
	s26 =	sadd.s32 s8, s9  }
0x17: {  	s9 =	sadd.s32 $0xFFFFFC80, s26;
	s10 =	sadd.s32 $0xFFFFFC90, s26;
	s26 =	simm.s32 $0x4F00  }
.LBB2_1:
0x18: {  	s0 =	rddreg [dreg:$0x6]  }
0x19: {  	s1 =	rddreg [dreg:$0x7]  }
0x1a: {  	[spmem:s17], [sflag:s1] =	dma.local [hbm:s0], $0x4E2  }
0x1b: {  	[tilespmem:s4], [sflag:$0x2] =	stream.strided.gather [hbm4b:s9+s18], $0x2780, s19, s18, $0x38;
	[tilespmem:$0xD6A8] =	vst v63  }
0x1c: {  	s20 =	simm.s32 $0x2780  }
0x1d: {  	[tilespmem:s20], [sflag:$0x2] =	stream.strided.gather [hbm4b:s10+s18], $0x2780, s19, s18, $0x38;
	[tilespmem:$0xD6A8] =	vst v63  }
0x1e: {  	_ = 	snop  }
0x1f: {  	[tilespmem:s22], [sflag:$0x1] =	stream.strided.gather [hbm4b:s11+s21], $0x2710, s18, s21, $0x38;
	[tilespmem:$0xD6A8] =	vst v63  }
0x20: {  	_ = 	snop  }
0x21: {  	[tilespmem:s23], [sflag:$0x3] =	stream.linear.gather [hbm4b:s13+s4], $0x278, $0x38;
	[tilespmem:$0xD6A8] =	vst v63  }
0x22: {  	_ =	swait.ge [sflag:s24], $0x278  }
0x23: {  	v0 =	vmov s12;
	[sflag:s24] =	ssyncset.done $0x0  }
0x24: {  	[sflag:s24] =	ssyncadd.s32 $0xFFFFFD88  }
0x25: {  	_ =	swait.ge [sflag:s25], $0x2710  }
0x26: {  	[sflag:s25] =	ssyncset.done $0x0  }
0x27: {  	[sflag:s25] =	ssyncadd.s32 $0xFFFFD8F0  }
0x28: {  	s1 =	simm.s32 $0x0;
	v0 =	vld.idx.msk [tilespmem:v0+s23+$0x0], $0xffff  }
0x29: {  	v2 =	vld [tilespmem:s1+$0xAD20];
	_ =	sdelay $0x1  }
0x2a: {  	s31 =	sadd.s32 $0x1, s12  }
0x2b: {  	s0 =	simm.s32 $0x40;
	v1 =	vmov s31;
	s20 =	simm.s32 $0x80  }
.LBB2_2:
0x2c: {  	p1 =	sne.s32 s20, $0x9C00  }
0x2d: {  	v0 =	vmul.f32 v2, v0;
	_ =	sdelay $0x1  }
0x2e: {  	[tilespmem:s1+$0xAD20] =	vst v0  }
.Ltmp0:
0x2f: {  	s1 =	sshra.s32 s0, $0x2;
	s0 =	smov.u32 s20;
	v0 =	vld.idx.msk [tilespmem:v1+s23+$0x0], $0xffff;
	(pc) =	sbr.rel @p1 .LBB2_2-.Ltmp0, $3  }
0x30: {  	v2 =	vld [tilespmem:s1+$0xAD20];
	_ =	sdelay $0x1  }
0x31: {  	s31 =	sadd.s32 $0x1, s31  }
0x32: {  	s20 =	sadd.s32 $0x40, s20;
	v1 =	vmov s31  }
0x33: {  	_ = 	snop  }
0x34: {  	v0 =	vmul.f32 v2, v0;
	_ =	sdelay $0x1  }
0x35: {  	[tilespmem:s1+$0xAD20] =	vst v0  }
0x36: {  	s0 =	sshra.s32 s0, $0x2;
	v0 =	vld.idx.msk [tilespmem:v1+s23+$0x0], $0xffff  }
0x37: {  	v63 =	vld [tilespmem:s0+$0xAD20];
	_ =	sdelay $0x4  }
0x38: {  	v0 =	vmul.f32 v63, v0;
	_ =	sdelay $0x1  }
0x39: {  	[tilespmem:s0+$0xAD20] =	vst v0  }
0x3a: {  	[spmem:s14] =	stream.linear.scatter [tilespmem:s22], [sflag:$0x3], $0x2710, $0x38;
	[tilespmem:$0xD6A8] =	vst v63  }
0x3b: {  	_ =	swait.ge [sflag:s24], $0x2710  }
0x3c: {  	[sflag:s24] =	ssyncset.done $0x0  }
0x3d: {  	[sflag:s24] =	ssyncadd.s32 $0xFFFFD8F0  }
0x3e: {  	_ =	swait.ge [sflag:s25], $0x4E2  }
0x3f: {  	[sflag:s25] =	ssyncset.done $0x0  }
0x40: {  	s5 =	simm.s32 $0x2;
	[sflag:s25] =	ssyncadd.s32 $0xFFFFFB1E  }
0x41: {  	_ =	swait.ge [sflag:s5], $0x2780  }
0x42: {  	[sflag:s5] =	ssyncset.done $0x0  }
0x43: {  	[sflag:s5] =	ssyncadd.s32 $0xFFFFD880  }
0x44: {  	_ =	swait.ge [sflag:s5], $0x2780  }
0x45: {  	[sflag:s5] =	ssyncset.done $0x0  }
0x46: {  	[sflag:s5] =	ssyncadd.s32 $0xFFFFD880  }
0x47: {  	s8 =	simm.s32 $0x80;
	[bflag:$0x0] =	sbarrier.arrive $0xFFFF  }
0x48: {  	[tilespmem:s26], [sflag:$0x1] =	stream.indirect.gather [spmem:s3], $0x10, s4, s8, $0xb8;
	[tilespmem:$0xD6A8] =	vst v63  }
0x49: {  	_ = 	snop  }
0x4a: {  	[tilespmem:s28], [sflag:$0x2] =	stream.indirect.gather [spmem:s3], $0x10, s8, s18, $0xb8;
	[tilespmem:$0xD6A8] =	vst v63  }
0x4b: {  	_ =	swait.ge [sflag:s25], $0x800  }
0x4c: {  	[sflag:s25] =	ssyncset.done $0x0  }
0x4d: {  	s31 =	simm.s32 $0x2780;
	[sflag:s25] =	ssyncadd.s32 $0xFFFFF800  }
0x4e: {  	[spmem:s2] =	stream.indirect.scatter.add.f32 [tilespmem:s26], [sflag:$0x3], $0x10, s31, s18, $0xb8;
	[tilespmem:$0xD6A8] =	vst v63  }
0x4f: {  	p1 =	sle.u32 s6, $0x2;
	_ =	swait.ge [sflag:s24], $0x800  }
0x50: {  	s20 =	simm.s32 @!p1 $0x4F00;
	[sflag:s24] =	ssyncset.done $0x0  }
0x51: {  	s1 =	simm.s32 @!p1 $0x80;
	s0 =	simm.s32 @!p1 $0x100;
	[sflag:s24] =	ssyncadd.s32 $0xFFFFF800  }
0x52: {  	[tilespmem:s20], [sflag:$0x1] =	stream.indirect.gather @!p1 [spmem:s3], $0x10, s0, s1, $0xb8;
	[tilespmem:$0xD6A8] =	vst v63  }
0x53: {  	_ =	swait.ge [sflag:s29], $0x800  }
0x54: {  	[sflag:s29] =	ssyncset.done $0x0  }
0x55: {  	s20 =	simm.s32 $0x2800;
	[sflag:s29] =	ssyncadd.s32 $0xFFFFF800  }
0x56: {  	[spmem:s2] =	stream.indirect.scatter.add.f32 [tilespmem:s28], [sflag:$0x3], $0x10, s20, s18, $0xb8;
	[tilespmem:$0xD6A8] =	vst v63  }
0x57: {  	s0 =	simm.s32 $0x4;
	s1 =	simm.s32 $0x180;
	_ =	swait.ge [sflag:s24], $0x800  }
.LBB2_4:
0x58: {  	[sflag:s24] =	ssyncset.done $0x0  }
0x59: {  	s31 =	sadd.s32 $0x100, s31;
	s20 =	smov.u32 s0;
	s0 =	sadd.s32 $0x2, s0  }
0x5a: {  	p1 =	sne.s32 s0, $0x50;
	[sflag:s24] =	ssyncadd.s32 $0xFFFFF800  }
0x5b: {  	[tilespmem:s28], [sflag:$0x2] =	stream.indirect.gather [spmem:s3], $0x10, s1, s18, $0xb8;
	[tilespmem:$0xD6A8] =	vst v63  }
0x5c: {  	_ =	swait.ge [sflag:s25], $0x800  }
0x5d: {  	[sflag:s25] =	ssyncset.done $0x0  }
0x5e: {  	[sflag:s25] =	ssyncadd.s32 $0xFFFFF800  }
0x5f: {  	[spmem:s2] =	stream.indirect.scatter.add.f32 [tilespmem:s26], [sflag:$0x3], $0x10, s31, s18, $0xb8;
	[tilespmem:$0xD6A8] =	vst v63  }
0x60: {  	p2 =	sge.u32 s20, s6;
	_ =	swait.ge [sflag:s24], $0x800  }
0x61: {  	s20 =	sadd.s32 @!p2 $0x80, s1;
	s5 =	simm.s32 @!p2 $0x80;
	[sflag:s24] =	ssyncset.done $0x0  }
0x62: {  	s8 =	simm.s32 @!p2 $0x4F00;
	[sflag:s24] =	ssyncadd.s32 $0xFFFFF800  }
0x63: {  	[tilespmem:s8], [sflag:$0x1] =	stream.indirect.gather @!p2 [spmem:s3], $0x10, s20, s5, $0xb8;
	[tilespmem:$0xD6A8] =	vst v63  }
.Ltmp1:
0x64: {  	_ =	swait.ge [sflag:s29], $0x800;
	(pc) =	sbr.rel @p1 .LBB2_4-.Ltmp1, $4  }
0x65: {  	s5 =	sadd.s32 $0x80, s31;
	[sflag:s29] =	ssyncset.done $0x0  }
0x66: {  	[sflag:s29] =	ssyncadd.s32 $0xFFFFF800  }
0x67: {  	[spmem:s2] =	stream.indirect.scatter.add.f32 [tilespmem:s28], [sflag:$0x3], $0x10, s5, s18, $0xb8;
	[tilespmem:$0xD6A8] =	vst v63  }
0x68: {  	s1 =	sadd.s32 $0x100, s1;
	_ =	swait.ge [sflag:s24], $0x800  }
0x69: {  	[sflag:s24] =	ssyncset.done $0x0  }
0x6a: {  	s0 =	simm.s32 @!p0 $0x1;
	[sflag:s24] =	ssyncadd.s32 $0xFFFFF800  }
0x6b: {  	_ =	swait.ge @!p0 [sflag:s0], $0x800  }
0x6c: {  	s1 =	simm.s32 @!p0 $0x4E80;
	[sflag:s0] =	ssyncset.done @!p0 $0x0  }
0x6d: {  	s5 =	simm.s32 @!p0 $0x4F00;
	[sflag:s0] =	ssyncadd.s32 @!p0 $0xFFFFF800;
	s0 =	simm.s32 @!p0 $0x80  }
0x6e: {  	[spmem:s2] =	stream.indirect.scatter.add.f32 @!p0 [tilespmem:s5], [sflag:$0x3], $0x10, s1, s0, $0xb8;
	[tilespmem:$0xD6A8] =	vst v63  }
0x6f: {  	s0 =	simm.s32 @!p0 $0x3  }
0x70: {  	_ =	swait.ge @!p0 [sflag:s0], $0x800  }
0x71: {  	s30 =	sadd.s32 $0x1, s30;
	[sflag:s0] =	ssyncset.done @!p0 $0x0  }
0x72: {  	p1 =	sne.s32 s30, s16;
	[sflag:s0] =	ssyncadd.s32 @!p0 $0xFFFFF800  }
.Ltmp2:
0x73: {  	s31 =	sor.u32 $0x1C03, s7;
	[bflag:$0x0] =	sbarrier.arrive $0xFFFF;
	(pc) =	sbr.rel @p1 .LBB2_1-.Ltmp2, $4  }
0x74: {  	[hbm:s15@s21], [sflag:s31] =	dma.strided [spmem:s17@s29], $0x4E2, s25, $0x2   }
0x75: {  	_ =	swait.ge [sflag:s24], $0x4E2  }
0x76: {  	[sflag:s24] =	ssyncset.done $0x0  }
0x77: {  	[sflag:s24] =	ssyncadd.s32 $0xFFFFFB1E  }
0x78: {  	_ =	sfence.sel $0x180000  }
0x79: {  	[bflag:$0x0] =	sbarrier.arrive $0xFFFF  }
0x7a: {  	_ =	strace $0x9000004A  }
0x7b: {  	s0 =	stileid.u32;
	[bflag:$0x2] =	sbarrier.arrive $0xFFFF  }
0x7c: {  	p0 =	sne.s32 s0, $0x0;
	s0 =	rddreg [dreg:$0x5]  }
0x7d: {  	s0 =	sadd.s32 @!p0 $0x100000, s0  }
0x7e: {  	[sflag:s0] =	ssyncadd.tile.s32 @!p0 $0x1;
	_ =	shalt  }
.Lfunc_end2:
_tile_overlayer_lowered:
.L_overlay_start_2:
0x7f: {  	(tag) =	ssettag $0x2  }
0x80: {  	s0 =	rddreg [dreg:$0x0];
	s2 =	stileid.u32  }
0x81: {  	s1 =	rddreg [dreg:$0x1];
	p0 =	sne.s32 s2, $0x0  }
0x82: {  	s3 =	rddreg [dreg:$0x2];
	[bflag:$0x3] =	sbarrier.arrive $0xFFFF;
	s2 =	simm.s32 @!p0 $0x1C03  }
0x83: {  	[timem:s3], [sflag:s2] =	dma.local @!p0 [hbm:s0], s1  }
0x84: {  	s0 =	simm.s32 @!p0 $0x3  }
0x85: {  	_ =	swait.ge @!p0 [sflag:s0], s1  }
0x86: {  	s1 =	ssub.s32 @!p0 $0x0, s1;
	[sflag:s0] =	ssyncset.done @!p0 $0x0  }
0x87: {  	[sflag:s0] =	ssyncadd.s32 @!p0 s1  }
0x88: {  	[bflag:$0x3] =	sbarrier.arrive $0xFFFF  }
0x89: {  	_ =	shalt  }

// kernel: kernel.14.cloned.1.call-start
scs
__scs_entry_jumppad:
0x0: {  	(pc) =	sbr.rel $0x88, $3  }
0x1: {  	(tag) =	ssettag $0x0;
	lr =	simm.s32 $0x1  }
0x2: {  	[smem:$0x3F9B] =	sst lr;
	_ =	strace $0xD0000000  }
0x3: {  	_ = 	snop  }
0x4: {  	_ = 	snop  }
0x5: {  	_ = 	snop  }
0x6: {  	_ = 	snop  }
0x7: {  	_ = 	snop  }
__scs_overlays_trampoline_lowered:
0x8: {  	[smem:$0x3FAA] =	sst s0  }
0x9: {  	[smem:$0x3FAB] =	sst s1  }
0xa: {  	[smem:$0x3FAC] =	sst s2  }
0xb: {  	[smem:$0x3FAD] =	sst s3  }
0xc: {  	[smem:$0x3FAE] =	sst s4  }
0xd: {  	[smem:$0x3FAF] =	sst s5  }
0xe: {  	[smem:$0x3FB0] =	sst s6  }
0xf: {  	[smem:$0x3FB1] =	sst s7  }
0x10: {  	[smem:$0x3FB2] =	sst s8  }
0x11: {  	[smem:$0x3FB3] =	sst s9;
	s0 =	simm.s32 @!p0 $0x0  }
0x12: {  	s1 =	sld [smem:$0x3F99];
	s0 =	simm.s32 @p0 $0x1  }
0x13: {  	[smem:$0x3FB4] =	sst s0;
	s0 =	simm.s32 @!p1 $0x0  }
0x14: {  	s2 =	sld [smem:$0x3F98];
	s0 =	simm.s32 @p1 $0x1  }
0x15: {  	[smem:$0x3FB5] =	sst s0;
	s0 =	simm.s32 @!p2 $0x0  }
0x16: {  	s3 =	sld [smem:$0x3FDB];
	s0 =	simm.s32 @p2 $0x1  }
0x17: {  	s4 =	simm.s32 $0x1BF5;
	[smem:$0x3FB7] =	sst s0  }
0x18: {  	s0 =	sld [smem:$0x3F9A];
	_ =	swait.ge [sflag:s4], $0x0  }
0x19: {  	s7 =	sld [smem:$0x3F9B]  }
0x1a: {  	s8 =	sadd.s32 $0xFFFFE003, lr  }
0x1b: {  	s9 =	sadd.s32 $0xFFFFFEF7, lr;
	s5 =	simm.s32 $0xFFFFFFFF;
	p2 =	slt.u32 s8, $0xFFFFF086  }
0x1c: {  	p1 =	slt.u32 s9, $0xF7A;
	s5 =	simm.s32 @!p2 $0x0  }
0x1d: {  	s5 =	simm.s32 @p1 $0x1;
	p0 =	seq.s32 s7, s2  }
0x1e: {  	s7 =	smul.u32 @!p0 $0xF7A, s2;
	p2 =	seq.s32 @!p0 s5, $0x0  }
0x1f: {  	s9 =	smul.u32 $0xF7A, s1;
	s8 =	simm.s32 @!p0 $0x1BF5;
	p2 =	por !p2, p0  }
0x20: {  	[sflag:s8] =	ssyncset.s32 @!p0 $0xFFFFF086;
	s6 =	sadd.s32 @!p0 s3, s7;
	s7 =	simm.s32 @!p0 $0x108  }
0x21: {  	s3 =	sadd.s32 s3, s9;
	s6 =	sadd.s32 @!p0 $0x88, s6;
	s7 =	simm.s32 @p2 $0x1082  }
0x22: {  	[simem:s7], [sflag:s8] =	dma.local @!p0 [hbm:s6], $0xF7A  }
0x23: {  	s9 =	sor.u32 $0xD0000000, s2;
	s6 =	simm.s32 $0x108;
	_ =	swait.ge @!p0 [sflag:s8], $0x0  }
0x24: {  	s3 =	sadd.s32 $0x88, s3;
	s6 =	simm.s32 @!p1 $0x1082;
	[sflag:s4] =	ssyncset.s32 $0xFFFFF086  }
0x25: {  	[simem:s6], [sflag:s4] =	dma.local [hbm:s3], $0xF7A  }
0x26: {  	[smem:$0x3F9B] =	sst s1;
	(tag) =	ssettag s2;
	_ =	strace s9  }
0x27: {  	s1 =	sld [smem:$0x3FAB]  }
0x28: {  	s2 =	sld [smem:$0x3FAC]  }
0x29: {  	s4 =	sld [smem:$0x3FAE]  }
0x2a: {  	p0 =	seq.s32 s5, $0x0;
	s5 =	sld [smem:$0x3FAF]  }
0x2b: {  	s6 =	sld [smem:$0x3FB0]  }
0x2c: {  	s7 =	sld [smem:$0x3FB1]  }
0x2d: {  	s3 =	simm.s32 $0x108;
	s8 =	sld [smem:$0x3FB2]  }
0x2e: {  	s3 =	simm.s32 @!p0 $0x1082;
	s9 =	sld [smem:$0x3FB3]  }
0x2f: {  	lr =	sadd.s32 s0, s3;
	s0 =	sld [smem:$0x3FAA]  }
0x30: {  	s3 =	sld [smem:$0x3FAD]  }
0x31: {  	[smem:$0x3FB6] =	sst s10  }
0x32: {  	s10 =	sld [smem:$0x3FB4];
	_ =	sdelay $0x3  }
0x33: {  	p0 =	seq.s32 s10, $0x1;
	s10 =	sld [smem:$0x3FB6];
	_ =	sdelay $0x3  }
0x34: {  	[smem:$0x3FB6] =	sst s10  }
0x35: {  	s10 =	sld [smem:$0x3FB5];
	_ =	sdelay $0x3  }
0x36: {  	p1 =	seq.s32 s10, $0x1;
	s10 =	sld [smem:$0x3FB6];
	_ =	sdelay $0x3  }
0x37: {  	[smem:$0x3FB6] =	sst s10  }
0x38: {  	s10 =	sld [smem:$0x3FB7]  }
0x39: {  	_ = 	snop;
	(pc) =	sbr.ind lr, $3  }
0x3a: {  	_ = 	snop  }
0x3b: {  	_ = 	snop  }
0x3c: {  	p2 =	seq.s32 s10, $0x1;
	s10 =	sld [smem:$0x3FB6]  }
0x3d: {  	_ =	shalt  }
0x3e: {  	_ =	shalt  }
0x3f: {  	_ =	shalt  }
0x40: {  	_ =	shalt  }
0x41: {  	_ =	shalt  }
0x42: {  	_ =	shalt  }
0x43: {  	_ =	shalt  }
0x44: {  	_ =	shalt  }
0x45: {  	_ =	shalt  }
0x46: {  	_ =	shalt  }
0x47: {  	_ =	shalt  }
0x48: {  	_ =	shalt  }
0x49: {  	_ =	shalt  }
0x4a: {  	_ =	shalt  }
0x4b: {  	_ =	shalt  }
0x4c: {  	_ =	shalt  }
0x4d: {  	_ =	shalt  }
0x4e: {  	_ =	shalt  }
0x4f: {  	_ =	shalt  }
0x50: {  	_ =	shalt  }
0x51: {  	_ =	shalt  }
0x52: {  	_ =	shalt  }
0x53: {  	_ =	shalt  }
0x54: {  	_ =	shalt  }
0x55: {  	_ =	shalt  }
0x56: {  	_ =	shalt  }
0x57: {  	_ =	shalt  }
0x58: {  	_ =	shalt  }
0x59: {  	_ =	shalt  }
0x5a: {  	_ =	shalt  }
0x5b: {  	_ =	shalt  }
0x5c: {  	_ =	shalt  }
0x5d: {  	_ =	shalt  }
0x5e: {  	_ =	shalt  }
0x5f: {  	_ =	shalt  }
0x60: {  	_ =	shalt  }
0x61: {  	_ =	shalt  }
0x62: {  	_ =	shalt  }
0x63: {  	_ =	shalt  }
0x64: {  	_ =	shalt  }
0x65: {  	_ =	shalt  }
0x66: {  	_ =	shalt  }
0x67: {  	_ =	shalt  }
0x68: {  	_ =	shalt  }
0x69: {  	_ =	shalt  }
0x6a: {  	_ =	shalt  }
0x6b: {  	_ =	shalt  }
0x6c: {  	_ =	shalt  }
0x6d: {  	_ =	shalt  }
0x6e: {  	_ =	shalt  }
0x6f: {  	_ =	shalt  }
0x70: {  	_ =	shalt  }
0x71: {  	_ =	shalt  }
0x72: {  	_ =	shalt  }
0x73: {  	_ =	shalt  }
0x74: {  	_ =	shalt  }
0x75: {  	_ =	shalt  }
0x76: {  	_ =	shalt  }
0x77: {  	_ =	shalt  }
0x78: {  	_ =	shalt  }
0x79: {  	_ =	shalt  }
0x7a: {  	_ =	shalt  }
0x7b: {  	_ =	shalt  }
0x7c: {  	_ =	shalt  }
0x7d: {  	_ =	shalt  }
0x7e: {  	_ =	shalt  }
0x7f: {  	_ =	shalt  }
0x80: {  	_ =	shalt  }
0x81: {  	_ =	shalt  }
0x82: {  	_ =	shalt  }
0x83: {  	_ =	shalt  }
0x84: {  	_ =	shalt  }
0x85: {  	_ =	shalt  }
0x86: {  	_ =	shalt  }
0x87: {  	_ =	shalt  }
.Lfunc_end0:
.L_simem_size_0:
called_computation.2_lowered:
.L_overlay_start_0:
0x88: {  	s2 =	sld [smem:$0x3FD9]  }
0x89: {  	s3 =	sld [smem:$0x3FFE];
	_ =	sdelay $0x1  }
0x8a: {  	s1 =	srdreg.scid  }
0x8b: {  	s0 =	sand.u32 $0x1, s1  }
0x8c: {  	s17 =	sshll.u32 s0, $0xA;
	s2 =	sadd.s32 s3, s2  }
0x8d: {  	s2 =	sadd.s32 s2, s17  }
0x8e: {  	[smem:$0x3FC2] =	sst s2  }
0x8f: {  	_ = 	snop  }
0x90: {  	s2 =	sld [smem:$0x3FC8]  }
0x91: {  	s18 =	sld [smem:$0x3FD0];
	(tm) =	ssettm $0x1  }
0x92: {  	s4 =	sld [smem:$0x3FFB];
	_ =	sdelay $0x3  }
0x93: {  	_ =	strace s4  }
0x94: {  	s4 =	sld [smem:$0x3FFC];
	_ =	sdelay $0x3  }
0x95: {  	_ =	strace s4  }
0x96: {  	s4 =	sld [smem:$0x3FFD];
	_ =	sdelay $0x3  }
0x97: {  	_ =	strace s4  }
0x98: {  	_ =	strace $0x8FFFFFFF  }
0x99: {  	s19 =	sld [smem:$0x3FDB];
	_ =	sdelay $0x1  }
0x9a: {  	s5 =	simm.s32 $_scs_section_size  }
0x9b: {  	s6 =	simm.s32 $_size__tile_overlayer_lowered;
	s7 =	simm.s32 $_tile_overlayer_lowered  }
0x9c: {  	s22 =	simm.s32 $0x1BFF;
	s21 =	sshll.u32 s7, $0x1;
	s4 =	sadd.s32 s5, s19  }
0x9d: {  	s8 =	simm.s32 $0x0;
	s20 =	sshll.u32 s6, $0x1;
	s6 =	sadd.s32 s21, s4  }
0x9e: {  	[timem:s8], [sflag:s22] =	dma.local [hbm:s6], s20  }
0x9f: {  	_ =	swait.ge [sflag:s22], s20  }
0xa0: {  	s5 =	ssub.s32 $0x0, s20;
	[sflag:s22] =	ssyncset.done $0x0  }
0xa1: {  	[sflag:s22] =	ssyncadd.s32 s5;
	_ =	sdelay $0x1  }
0xa2: {  	s23 =	simm.s32 $0x1B8B  }
0xa3: {  	_ =	swait.ge [sflag:s23], $0x1  }
0xa4: {  	[sflag:s23] =	ssyncset.done $0x0  }
0xa5: {  	s25 =	simm.s32 $0x1B8E;
	s24 =	sld [smem:$0x3FFE];
	[sflag:s23] =	ssyncadd.s32 $0xFFFFFFFF  }
0xa6: {  	s26 =	simm.s32 $execute0_lowered;
	[smem:$0x3FD2] =	sst s25  }
0xa7: {  	s6 =	sshll.u32 s26, $0x1;
	_ =	strace $0x8000004C;
	[dreg:$0x1] =	wrdreg $0xFFFFFFFF  }
0xa8: {  	s28 =	simm.s32 $_size_execute0_lowered;
	s4 =	sadd.s32 s4, s6;
	[dreg:$0x0] =	wrdreg $0x0  }
0xa9: {  	s6 =	sshll.u32 s28, $0x1;
	[dreg:$0x2] =	wrdreg s4  }
0xaa: {  	[dreg:$0x3] =	wrdreg s6  }
0xab: {  	[dreg:$0x4] =	wrdreg $0xC0  }
0xac: {  	_ =	task [dreg:s8], $0x5FFFF  }
0xad: {  	[dreg:$0x1] =	wrdreg $0xFFFFFFFF  }
0xae: {  	[dreg:$0x0] =	wrdreg $0x60  }
0xaf: {  	[dreg:$0x2] =	wrdreg s24  }
0xb0: {  	[dreg:$0x3] =	wrdreg s2  }
0xb1: {  	[dreg:$0x4] =	wrdreg s18  }
0xb2: {  	[dreg:$0x5] =	wrdreg $0xD8A80  }
0xb3: {  	[dreg:$0x6] =	wrdreg $0x77000  }
0xb4: {  	[dreg:$0x7] =	wrdreg $0x9  }
0xb5: {  	_ =	task.clear_ibuf [dreg:s8], $0x8FFFF;
	_ =	strace $0x9000004C  }
0xb6: {  	s29 =	simm.s32 $0x9;
	_ =	strace $0x8000004E  }
0xb7: {  	_ =	swait.ge [sflag:s29], $0x1  }
0xb8: {  	[sflag:s29] =	ssyncadd.s32 $0xFFFFFFFF  }
0xb9: {  	_ =	strace $0x9000004E  }
0xba: {  	_ =	sfence  }
0xbb: {  	s30 =	sld [smem:$0x0];
	_ =	sdelay $0x2  }
0xbc: {  	s31 =	sshll.u32 s1, $0xD;
	s1 =	sshrl.u32 s1, $0x2  }
0xbd: {  	s3 =	sand.u32 $0x4000, s31;
	s1 =	sadd.s32 s1, s30  }
0xbe: {  	s0 =	sor.u32 s3, s0;
	s1 =	sshll.u32 s1, $0x11  }
0xbf: {  	s0 =	sor.u32 s1, s0  }
0xc0: {  	s0 =	sadd.s32 $0x8F2B, s0  }
0xc1: {  	[sflag:s0] =	ssyncadd.remote.s32 $0x1  }
0xc2: {  	_ =	sfence.sel $0xFFFF  }
0xc3: {  	[dreg:$0x0] =	wrdreg $0xFFFFFFFF;
	(pc) =	sbr.abs _section_cstart, $3  }
0xc4: {  	[dreg:$0x1] =	wrdreg $0xFFFFFFFF  }
0xc5: {  	_ =	task.clear_ibuf [dreg:s8], $0x2FFFF;
	_ =	strace $0x9FFFFFFF  }
0xc6: {  	(tm) =	ssettm $0x7FFFFFFF  }
0xc7: {  	_ =	shalt  }
tec
execute0_lowered:
.L_overlay_start_1:
0x0: {  	(tag) =	ssettag $0x1  }
0x1: {  	s6 =	rddreg [dreg:$0x0]  }
0x2: {  	s8 =	rddreg [dreg:$0x1]  }
0x3: {  	s2 =	rddreg [dreg:$0x2]  }
0x4: {  	s3 =	rddreg [dreg:$0x3]  }
0x5: {  	s4 =	rddreg [dreg:$0x4];
	s1 =	stileid.u32  }
0x6: {  	s7 =	srdreg.scid;
	s5 =	simm.s32 $0x0;
	s17 =	simm.s32 $0x1  }
0x7: {  	s18 =	simm.s32 $0x5;
	s19 =	simm.s32 $0x10;
	s20 =	simm.s32 $0x4F00  }
0x8: {  	s21 =	simm.s32 $0x80;
	s22 =	simm.s32 $0x6300;
	s23 =	simm.s32 $0x3  }
0x9: {  	s24 =	simm.s32 $0x2;
	s9 =	smul.u32 $0x13880, s1;
	s7 =	sand.u32 $0x1, s7  }
0xa: {  	[smem:$0x7FF] =	sst s5;
	s14 =	smul.u32 $0x61A8, s1;
	s10 =	sshll.u32 s7, $0x4  }
0xb: {  	s12 =	smul.u32 $0x28, s7;
	_ =	strace $0x8000004D;
	s7 =	ssub.s32 $0x2, s7  }
0xc: {  	s11 =	sshrl.u32 s9, $0x3;
	s25 =	sor.u32 s1, s10;
	s13 =	sshrl.u32 s7, $0x1  }
0xd: {  	s15 =	sadd.s32 s14, s3;
	s16 =	sadd.s32 s14, s4;
	s11 =	sadd.s32 s11, s6  }
0xe: {  	s10 =	smul.u32 $0x4E, s25;
	s9 =	sor.u32 s12, s9;
	s29 =	smax.u32 s25, $0x1C  }
0xf: {  	s13 =	ssub.s32 s7, s13;
	p0 =	sgt.u32 s25, $0x1B;
	s7 =	sshll.u32 s1, $0x6  }
0x10: {  	s14 =	sshrl.u32 s15, $0x3;
	s15 =	simm.s32 $0x100;
	s16 =	sshrl.u32 s16, $0x3  }
0x11: {  	s9 =	sshrl.u32 s9, $0x3;
	s11 =	sadd.s32 $0x2A00, s11;
	s13 =	smax.u32 s13, $0x1  }
0x12: {  	s10 =	sadd.s32 s10, s29;
	s30 =	sadd.s32 s9, s6;
	s6 =	simm.s32 $0x4F  }
0x13: {  	s31 =	sshll.u32 s10, $0x5;
	s6 =	simm.s32 @!p0 $0x4E;
	s12 =	sadd.s32 $0x29C00, s30  }
0x14: {  	p0 =	slt.u32 s25, $0x1C;
	s25 =	simm.s32 $0x0;
	s10 =	sadd.s32 s8, s31  }
0x15: {  	s8 =	sor.u32 $0x1C01, s7;
	s9 =	sadd.s32 $0xFFFFFC80, s10;
	s10 =	sadd.s32 $0xFFFFFC90, s10  }
.LBB2_1:
0x16: {  	[spmem:s14], [sflag:s8] =	dma.local [hbm:s2], $0xC35  }
0x17: {  	[tilespmem:s5], [sflag:$0x2] =	stream.strided.gather [hbm4b:s9+s21], $0x2780, s15, s21, $0x38;
	[tilespmem:$0x13A50] =	vst v63  }
0x18: {  	s26 =	simm.s32 $0x2780  }
0x19: {  	[tilespmem:s26], [sflag:$0x2] =	stream.strided.gather [hbm4b:s10+s21], $0x2780, s15, s21, $0x38;
	[tilespmem:$0x13A50] =	vst v63  }
0x1a: {  	[spmem:s16@s18], [sflag:s8] =	dma.strided [hbm:s11@s19], $0xC35, s17, $0x5   }
0x1b: {  	_ =	swait.ge [sflag:s17], $0xC35  }
0x1c: {  	[sflag:s17] =	ssyncset.done $0x0  }
0x1d: {  	[sflag:s17] =	ssyncadd.s32 $0xFFFFF3CB  }
0x1e: {  	_ =	swait.ge [sflag:s17], $0xC35  }
0x1f: {  	[sflag:s17] =	ssyncset.done $0x0  }
0x20: {  	[sflag:s17] =	ssyncadd.s32 $0xFFFFF3CB  }
0x21: {  	_ =	swait.ge [sflag:s24], $0x2780  }
0x22: {  	[sflag:s24] =	ssyncset.done $0x0  }
0x23: {  	[sflag:s24] =	ssyncadd.s32 $0xFFFFD880  }
0x24: {  	_ =	swait.ge [sflag:s24], $0x2780  }
0x25: {  	[sflag:s24] =	ssyncset.done $0x0  }
0x26: {  	[sflag:s24] =	ssyncadd.s32 $0xFFFFD880  }
0x27: {  	[bflag:$0x0] =	sbarrier.arrive $0xFFFF  }
0x28: {  	[tilespmem:s20], [sflag:$0x1] =	stream.indirect.gather [spmem:s4], $0x28, s5, s21, $0xb8;
	[tilespmem:$0x13A50] =	vst v63  }
0x29: {  	_ = 	snop  }
0x2a: {  	[tilespmem:s22], [sflag:$0x2] =	stream.indirect.gather [spmem:s4], $0x28, s21, s21, $0xb8;
	[tilespmem:$0x13A50] =	vst v63  }
0x2b: {  	_ =	swait.ge [sflag:s17], $0x1400  }
0x2c: {  	[sflag:s17] =	ssyncset.done $0x0  }
0x2d: {  	[sflag:s17] =	ssyncadd.s32 $0xFFFFEC00  }
0x2e: {  	[spmem:s3] =	stream.indirect.scatter.add.f32 [tilespmem:s20], [sflag:$0x3], $0x28, s26, s21, $0xb8;
	[tilespmem:$0x13A50] =	vst v63  }
0x2f: {  	p1 =	sle.u32 s6, $0x2;
	_ =	swait.ge [sflag:s23], $0x1400  }
0x30: {  	s28 =	simm.s32 @!p1 $0x100;
	[sflag:s23] =	ssyncset.done $0x0  }
0x31: {  	s29 =	simm.s32 @!p1 $0x80;
	s30 =	simm.s32 @!p1 $0x4F00;
	[sflag:s23] =	ssyncadd.s32 $0xFFFFEC00  }
0x32: {  	[tilespmem:s30], [sflag:$0x1] =	stream.indirect.gather @!p1 [spmem:s4], $0x28, s28, s29, $0xb8;
	[tilespmem:$0x13A50] =	vst v63  }
0x33: {  	_ =	swait.ge [sflag:s24], $0x1400  }
0x34: {  	[sflag:s24] =	ssyncset.done $0x0  }
0x35: {  	s28 =	simm.s32 $0x2800;
	[sflag:s24] =	ssyncadd.s32 $0xFFFFEC00  }
0x36: {  	[spmem:s3] =	stream.indirect.scatter.add.f32 [tilespmem:s22], [sflag:$0x3], $0x28, s28, s21, $0xb8;
	[tilespmem:$0x13A50] =	vst v63  }
0x37: {  	s29 =	simm.s32 $0x180;
	s28 =	simm.s32 $0x4;
	_ =	swait.ge [sflag:s23], $0x1400  }
.LBB2_2:
0x38: {  	[sflag:s23] =	ssyncset.done $0x0  }
0x39: {  	s26 =	sadd.s32 $0x100, s26;
	s30 =	smov.u32 s28;
	s28 =	sadd.s32 $0x2, s28  }
0x3a: {  	p1 =	sne.s32 s28, $0x50;
	[sflag:s23] =	ssyncadd.s32 $0xFFFFEC00  }
0x3b: {  	[tilespmem:s22], [sflag:$0x2] =	stream.indirect.gather [spmem:s4], $0x28, s29, s21, $0xb8;
	[tilespmem:$0x13A50] =	vst v63  }
0x3c: {  	_ =	swait.ge [sflag:s17], $0x1400  }
0x3d: {  	[sflag:s17] =	ssyncset.done $0x0  }
0x3e: {  	[sflag:s17] =	ssyncadd.s32 $0xFFFFEC00  }
0x3f: {  	[spmem:s3] =	stream.indirect.scatter.add.f32 [tilespmem:s20], [sflag:$0x3], $0x28, s26, s21, $0xb8;
	[tilespmem:$0x13A50] =	vst v63  }
0x40: {  	p2 =	sge.u32 s30, s6;
	_ =	swait.ge [sflag:s23], $0x1400  }
0x41: {  	s30 =	sadd.s32 @!p2 $0x80, s29;
	s31 =	simm.s32 @!p2 $0x80;
	[sflag:s23] =	ssyncset.done $0x0  }
0x42: {  	s0 =	simm.s32 @!p2 $0x4F00;
	[sflag:s23] =	ssyncadd.s32 $0xFFFFEC00  }
0x43: {  	[tilespmem:s0], [sflag:$0x1] =	stream.indirect.gather @!p2 [spmem:s4], $0x28, s30, s31, $0xb8;
	[tilespmem:$0x13A50] =	vst v63  }
.Ltmp0:
0x44: {  	_ =	swait.ge [sflag:s24], $0x1400;
	(pc) =	sbr.rel @p1 .LBB2_2-.Ltmp0, $4  }
0x45: {  	s0 =	sadd.s32 $0x80, s26;
	[sflag:s24] =	ssyncset.done $0x0  }
0x46: {  	[sflag:s24] =	ssyncadd.s32 $0xFFFFEC00  }
0x47: {  	[spmem:s3] =	stream.indirect.scatter.add.f32 [tilespmem:s22], [sflag:$0x3], $0x28, s0, s21, $0xb8;
	[tilespmem:$0x13A50] =	vst v63  }
0x48: {  	s29 =	sadd.s32 $0x100, s29;
	_ =	swait.ge [sflag:s23], $0x1400  }
0x49: {  	[sflag:s23] =	ssyncset.done $0x0  }
0x4a: {  	s0 =	simm.s32 @!p0 $0x1;
	[sflag:s23] =	ssyncadd.s32 $0xFFFFEC00  }
0x4b: {  	_ =	swait.ge @!p0 [sflag:s0], $0x1400  }
0x4c: {  	s26 =	simm.s32 @!p0 $0x4E80;
	[sflag:s0] =	ssyncset.done @!p0 $0x0  }
0x4d: {  	s28 =	simm.s32 @!p0 $0x4F00;
	[sflag:s0] =	ssyncadd.s32 @!p0 $0xFFFFEC00;
	s0 =	simm.s32 @!p0 $0x80  }
0x4e: {  	[spmem:s3] =	stream.indirect.scatter.add.f32 @!p0 [tilespmem:s28], [sflag:$0x3], $0x28, s26, s0, $0xb8;
	[tilespmem:$0x13A50] =	vst v63  }
0x4f: {  	s0 =	simm.s32 @!p0 $0x3  }
0x50: {  	_ =	swait.ge @!p0 [sflag:s0], $0x1400  }
0x51: {  	s25 =	sadd.s32 $0x1, s25;
	[sflag:s0] =	ssyncset.done @!p0 $0x0  }
0x52: {  	p1 =	sne.s32 s25, s13;
	[sflag:s0] =	ssyncadd.s32 @!p0 $0xFFFFEC00  }
.Ltmp1:
0x53: {  	s31 =	sor.u32 $0x1C03, s7;
	[bflag:$0x0] =	sbarrier.arrive $0xFFFF;
	(pc) =	sbr.rel @p1 .LBB2_1-.Ltmp1, $4  }
0x54: {  	[hbm:s12@s19], [sflag:s31] =	dma.strided [spmem:s14@s18], $0xC35, s17, $0x5   }
0x55: {  	_ =	swait.ge [sflag:s23], $0xC35  }
0x56: {  	[sflag:s23] =	ssyncset.done $0x0  }
0x57: {  	[sflag:s23] =	ssyncadd.s32 $0xFFFFF3CB  }
0x58: {  	_ =	sfence.sel $0x180000  }
0x59: {  	[bflag:$0x0] =	sbarrier.arrive $0xFFFF  }
0x5a: {  	_ =	strace $0x9000004D  }
0x5b: {  	[bflag:$0x2] =	sbarrier.arrive $0xFFFF  }
0x5c: {  	p0 =	sne.s32 s1, $0x0;
	s0 =	rddreg [dreg:$0x5]  }
0x5d: {  	s0 =	sadd.s32 @!p0 $0x100000, s0  }
0x5e: {  	[sflag:s0] =	ssyncadd.tile.s32 @!p0 $0x1;
	_ =	shalt  }
.Lfunc_end2:
_tile_overlayer_lowered:
.L_overlay_start_2:
0x5f: {  	(tag) =	ssettag $0x2  }
0x60: {  	s0 =	rddreg [dreg:$0x0];
	s2 =	stileid.u32  }
0x61: {  	s1 =	rddreg [dreg:$0x1];
	p0 =	sne.s32 s2, $0x0  }
0x62: {  	s3 =	rddreg [dreg:$0x2];
	[bflag:$0x3] =	sbarrier.arrive $0xFFFF;
	s2 =	simm.s32 @!p0 $0x1C03  }
0x63: {  	[timem:s3], [sflag:s2] =	dma.local @!p0 [hbm:s0], s1  }
0x64: {  	s0 =	simm.s32 @!p0 $0x3  }
0x65: {  	_ =	swait.ge @!p0 [sflag:s0], s1  }
0x66: {  	s1 =	ssub.s32 @!p0 $0x0, s1;
	[sflag:s0] =	ssyncset.done @!p0 $0x0  }
0x67: {  	[sflag:s0] =	ssyncadd.s32 @!p0 s1  }
0x68: {  	[bflag:$0x3] =	sbarrier.arrive $0xFFFF  }
0x69: {  	_ =	shalt  }

// kernel: kernel.8.cloned.1.call-start
scs
__scs_entry_jumppad:
0x0: {  	(pc) =	sbr.rel $0x88, $3  }
0x1: {  	(tag) =	ssettag $0x0;
	lr =	simm.s32 $0x1  }
0x2: {  	[smem:$0x3F9B] =	sst lr;
	_ =	strace $0xD0000000  }
0x3: {  	_ = 	snop  }
0x4: {  	_ = 	snop  }
0x5: {  	_ = 	snop  }
0x6: {  	_ = 	snop  }
0x7: {  	_ = 	snop  }
__scs_overlays_trampoline_lowered:
0x8: {  	[smem:$0x3FAA] =	sst s0  }
0x9: {  	[smem:$0x3FAB] =	sst s1  }
0xa: {  	[smem:$0x3FAC] =	sst s2  }
0xb: {  	[smem:$0x3FAD] =	sst s3  }
0xc: {  	[smem:$0x3FAE] =	sst s4  }
0xd: {  	[smem:$0x3FAF] =	sst s5  }
0xe: {  	[smem:$0x3FB0] =	sst s6  }
0xf: {  	[smem:$0x3FB1] =	sst s7  }
0x10: {  	[smem:$0x3FB2] =	sst s8  }
0x11: {  	[smem:$0x3FB3] =	sst s9;
	s0 =	simm.s32 @!p0 $0x0  }
0x12: {  	s1 =	sld [smem:$0x3F99];
	s0 =	simm.s32 @p0 $0x1  }
0x13: {  	[smem:$0x3FB4] =	sst s0;
	s0 =	simm.s32 @!p1 $0x0  }
0x14: {  	s2 =	sld [smem:$0x3F98];
	s0 =	simm.s32 @p1 $0x1  }
0x15: {  	[smem:$0x3FB5] =	sst s0;
	s0 =	simm.s32 @!p2 $0x0  }
0x16: {  	s3 =	sld [smem:$0x3FDB];
	s0 =	simm.s32 @p2 $0x1  }
0x17: {  	s4 =	simm.s32 $0x1BF5;
	[smem:$0x3FB7] =	sst s0  }
0x18: {  	s0 =	sld [smem:$0x3F9A];
	_ =	swait.ge [sflag:s4], $0x0  }
0x19: {  	s7 =	sld [smem:$0x3F9B]  }
0x1a: {  	s8 =	sadd.s32 $0xFFFFE003, lr  }
0x1b: {  	s9 =	sadd.s32 $0xFFFFFEF7, lr;
	s5 =	simm.s32 $0xFFFFFFFF;
	p2 =	slt.u32 s8, $0xFFFFF086  }
0x1c: {  	p1 =	slt.u32 s9, $0xF7A;
	s5 =	simm.s32 @!p2 $0x0  }
0x1d: {  	s5 =	simm.s32 @p1 $0x1;
	p0 =	seq.s32 s7, s2  }
0x1e: {  	s7 =	smul.u32 @!p0 $0xF7A, s2;
	p2 =	seq.s32 @!p0 s5, $0x0  }
0x1f: {  	s9 =	smul.u32 $0xF7A, s1;
	s8 =	simm.s32 @!p0 $0x1BF5;
	p2 =	por !p2, p0  }
0x20: {  	[sflag:s8] =	ssyncset.s32 @!p0 $0xFFFFF086;
	s6 =	sadd.s32 @!p0 s3, s7;
	s7 =	simm.s32 @!p0 $0x108  }
0x21: {  	s3 =	sadd.s32 s3, s9;
	s6 =	sadd.s32 @!p0 $0x88, s6;
	s7 =	simm.s32 @p2 $0x1082  }
0x22: {  	[simem:s7], [sflag:s8] =	dma.local @!p0 [hbm:s6], $0xF7A  }
0x23: {  	s9 =	sor.u32 $0xD0000000, s2;
	s6 =	simm.s32 $0x108;
	_ =	swait.ge @!p0 [sflag:s8], $0x0  }
0x24: {  	s3 =	sadd.s32 $0x88, s3;
	s6 =	simm.s32 @!p1 $0x1082;
	[sflag:s4] =	ssyncset.s32 $0xFFFFF086  }
0x25: {  	[simem:s6], [sflag:s4] =	dma.local [hbm:s3], $0xF7A  }
0x26: {  	[smem:$0x3F9B] =	sst s1;
	(tag) =	ssettag s2;
	_ =	strace s9  }
0x27: {  	s1 =	sld [smem:$0x3FAB]  }
0x28: {  	s2 =	sld [smem:$0x3FAC]  }
0x29: {  	s4 =	sld [smem:$0x3FAE]  }
0x2a: {  	p0 =	seq.s32 s5, $0x0;
	s5 =	sld [smem:$0x3FAF]  }
0x2b: {  	s6 =	sld [smem:$0x3FB0]  }
0x2c: {  	s7 =	sld [smem:$0x3FB1]  }
0x2d: {  	s3 =	simm.s32 $0x108;
	s8 =	sld [smem:$0x3FB2]  }
0x2e: {  	s3 =	simm.s32 @!p0 $0x1082;
	s9 =	sld [smem:$0x3FB3]  }
0x2f: {  	lr =	sadd.s32 s0, s3;
	s0 =	sld [smem:$0x3FAA]  }
0x30: {  	s3 =	sld [smem:$0x3FAD]  }
0x31: {  	[smem:$0x3FB6] =	sst s10  }
0x32: {  	s10 =	sld [smem:$0x3FB4];
	_ =	sdelay $0x3  }
0x33: {  	p0 =	seq.s32 s10, $0x1;
	s10 =	sld [smem:$0x3FB6];
	_ =	sdelay $0x3  }
0x34: {  	[smem:$0x3FB6] =	sst s10  }
0x35: {  	s10 =	sld [smem:$0x3FB5];
	_ =	sdelay $0x3  }
0x36: {  	p1 =	seq.s32 s10, $0x1;
	s10 =	sld [smem:$0x3FB6];
	_ =	sdelay $0x3  }
0x37: {  	[smem:$0x3FB6] =	sst s10  }
0x38: {  	s10 =	sld [smem:$0x3FB7]  }
0x39: {  	_ = 	snop;
	(pc) =	sbr.ind lr, $3  }
0x3a: {  	_ = 	snop  }
0x3b: {  	_ = 	snop  }
0x3c: {  	p2 =	seq.s32 s10, $0x1;
	s10 =	sld [smem:$0x3FB6]  }
0x3d: {  	_ =	shalt  }
0x3e: {  	_ =	shalt  }
0x3f: {  	_ =	shalt  }
0x40: {  	_ =	shalt  }
0x41: {  	_ =	shalt  }
0x42: {  	_ =	shalt  }
0x43: {  	_ =	shalt  }
0x44: {  	_ =	shalt  }
0x45: {  	_ =	shalt  }
0x46: {  	_ =	shalt  }
0x47: {  	_ =	shalt  }
0x48: {  	_ =	shalt  }
0x49: {  	_ =	shalt  }
0x4a: {  	_ =	shalt  }
0x4b: {  	_ =	shalt  }
0x4c: {  	_ =	shalt  }
0x4d: {  	_ =	shalt  }
0x4e: {  	_ =	shalt  }
0x4f: {  	_ =	shalt  }
0x50: {  	_ =	shalt  }
0x51: {  	_ =	shalt  }
0x52: {  	_ =	shalt  }
0x53: {  	_ =	shalt  }
0x54: {  	_ =	shalt  }
0x55: {  	_ =	shalt  }
0x56: {  	_ =	shalt  }
0x57: {  	_ =	shalt  }
0x58: {  	_ =	shalt  }
0x59: {  	_ =	shalt  }
0x5a: {  	_ =	shalt  }
0x5b: {  	_ =	shalt  }
0x5c: {  	_ =	shalt  }
0x5d: {  	_ =	shalt  }
0x5e: {  	_ =	shalt  }
0x5f: {  	_ =	shalt  }
0x60: {  	_ =	shalt  }
0x61: {  	_ =	shalt  }
0x62: {  	_ =	shalt  }
0x63: {  	_ =	shalt  }
0x64: {  	_ =	shalt  }
0x65: {  	_ =	shalt  }
0x66: {  	_ =	shalt  }
0x67: {  	_ =	shalt  }
0x68: {  	_ =	shalt  }
0x69: {  	_ =	shalt  }
0x6a: {  	_ =	shalt  }
0x6b: {  	_ =	shalt  }
0x6c: {  	_ =	shalt  }
0x6d: {  	_ =	shalt  }
0x6e: {  	_ =	shalt  }
0x6f: {  	_ =	shalt  }
0x70: {  	_ =	shalt  }
0x71: {  	_ =	shalt  }
0x72: {  	_ =	shalt  }
0x73: {  	_ =	shalt  }
0x74: {  	_ =	shalt  }
0x75: {  	_ =	shalt  }
0x76: {  	_ =	shalt  }
0x77: {  	_ =	shalt  }
0x78: {  	_ =	shalt  }
0x79: {  	_ =	shalt  }
0x7a: {  	_ =	shalt  }
0x7b: {  	_ =	shalt  }
0x7c: {  	_ =	shalt  }
0x7d: {  	_ =	shalt  }
0x7e: {  	_ =	shalt  }
0x7f: {  	_ =	shalt  }
0x80: {  	_ =	shalt  }
0x81: {  	_ =	shalt  }
0x82: {  	_ =	shalt  }
0x83: {  	_ =	shalt  }
0x84: {  	_ =	shalt  }
0x85: {  	_ =	shalt  }
0x86: {  	_ =	shalt  }
0x87: {  	_ =	shalt  }
.Lfunc_end0:
.L_simem_size_0:
called_computation_lowered:
.L_overlay_start_0:
0x88: {  	s2 =	sld [smem:$0x3FD9]  }
0x89: {  	s3 =	sld [smem:$0x3FFE];
	_ =	sdelay $0x1  }
0x8a: {  	s1 =	srdreg.scid  }
0x8b: {  	s0 =	sand.u32 $0x1, s1  }
0x8c: {  	s18 =	sshll.u32 s0, $0xA;
	s2 =	sadd.s32 s3, s2  }
0x8d: {  	s2 =	sadd.s32 s2, s18  }
0x8e: {  	[smem:$0x3FC2] =	sst s2  }
0x8f: {  	_ = 	snop  }
0x90: {  	s2 =	sld [smem:$0x3FC8]  }
0x91: {  	s19 =	sld [smem:$0x3FD0];
	(tm) =	ssettm $0x1  }
0x92: {  	s4 =	sld [smem:$0x3FFB];
	_ =	sdelay $0x3  }
0x93: {  	_ =	strace s4  }
0x94: {  	s4 =	sld [smem:$0x3FFC];
	_ =	sdelay $0x3  }
0x95: {  	_ =	strace s4  }
0x96: {  	s4 =	sld [smem:$0x3FFD];
	_ =	sdelay $0x3  }
0x97: {  	_ =	strace s4  }
0x98: {  	_ =	strace $0x8FFFFFFF  }
0x99: {  	s20 =	sld [smem:$0x3FDB];
	_ =	sdelay $0x1  }
0x9a: {  	s5 =	simm.s32 $_scs_section_size  }
0x9b: {  	s6 =	simm.s32 $_size__tile_overlayer_lowered;
	s7 =	simm.s32 $_tile_overlayer_lowered  }
0x9c: {  	s23 =	simm.s32 $0x1BFF;
	s22 =	sshll.u32 s7, $0x1;
	s4 =	sadd.s32 s5, s20  }
0x9d: {  	s8 =	simm.s32 $0x0;
	s21 =	sshll.u32 s6, $0x1;
	s6 =	sadd.s32 s22, s4  }
0x9e: {  	[timem:s8], [sflag:s23] =	dma.local [hbm:s6], s21  }
0x9f: {  	_ =	swait.ge [sflag:s23], s21  }
0xa0: {  	s5 =	ssub.s32 $0x0, s21;
	[sflag:s23] =	ssyncset.done $0x0  }
0xa1: {  	[sflag:s23] =	ssyncadd.s32 s5;
	_ =	sdelay $0x1  }
0xa2: {  	s24 =	simm.s32 $0x1B8B  }
0xa3: {  	_ =	swait.ge [sflag:s24], $0x1  }
0xa4: {  	[sflag:s24] =	ssyncset.done $0x0  }
0xa5: {  	s25 =	simm.s32 $0x1B8E;
	[sflag:s24] =	ssyncadd.s32 $0xFFFFFFFF  }
0xa6: {  	s26 =	simm.s32 $execute0_lowered;
	[smem:$0x3FD2] =	sst s25  }
0xa7: {  	s5 =	sshll.u32 s26, $0x1;
	_ =	strace $0x80000046;
	[dreg:$0x1] =	wrdreg $0xFFFFFFFF  }
0xa8: {  	s28 =	simm.s32 $_size_execute0_lowered;
	s4 =	sadd.s32 s4, s5;
	[dreg:$0x0] =	wrdreg $0x0  }
0xa9: {  	s5 =	sshll.u32 s28, $0x1;
	[dreg:$0x2] =	wrdreg s4  }
0xaa: {  	[dreg:$0x3] =	wrdreg s5  }
0xab: {  	[dreg:$0x4] =	wrdreg $0xC0  }
0xac: {  	_ =	task [dreg:s8], $0x5FFFF  }
0xad: {  	[dreg:$0x1] =	wrdreg $0xFFFFFFFF  }
0xae: {  	[dreg:$0x0] =	wrdreg $0x60  }
0xaf: {  	[dreg:$0x2] =	wrdreg s2  }
0xb0: {  	[dreg:$0x3] =	wrdreg s19  }
0xb1: {  	[dreg:$0x4] =	wrdreg $0x2A800  }
0xb2: {  	[dreg:$0x5] =	wrdreg $0x9  }
0xb3: {  	_ =	task.clear_ibuf [dreg:s8], $0x6FFFF;
	_ =	strace $0x90000046  }
0xb4: {  	s29 =	simm.s32 $0x9;
	_ =	strace $0x80000048  }
0xb5: {  	_ =	swait.ge [sflag:s29], $0x1  }
0xb6: {  	[sflag:s29] =	ssyncadd.s32 $0xFFFFFFFF  }
0xb7: {  	_ =	strace $0x90000048  }
0xb8: {  	_ =	sfence  }
0xb9: {  	s30 =	sld [smem:$0x0];
	_ =	sdelay $0x2  }
0xba: {  	s31 =	sshll.u32 s1, $0xD;
	s1 =	sshrl.u32 s1, $0x2  }
0xbb: {  	s3 =	sand.u32 $0x4000, s31;
	s1 =	sadd.s32 s1, s30  }
0xbc: {  	s0 =	sor.u32 s3, s0;
	s1 =	sshll.u32 s1, $0x11  }
0xbd: {  	s0 =	sor.u32 s1, s0  }
0xbe: {  	s0 =	sadd.s32 $0x8F2B, s0  }
0xbf: {  	[sflag:s0] =	ssyncadd.remote.s32 $0x1  }
0xc0: {  	_ =	sfence.sel $0xFFFF  }
0xc1: {  	[dreg:$0x0] =	wrdreg $0xFFFFFFFF;
	(pc) =	sbr.abs _section_cstart, $3  }
0xc2: {  	[dreg:$0x1] =	wrdreg $0xFFFFFFFF  }
0xc3: {  	_ =	task.clear_ibuf [dreg:s8], $0x2FFFF;
	_ =	strace $0x9FFFFFFF  }
0xc4: {  	(tm) =	ssettm $0x7FFFFFFF  }
0xc5: {  	_ =	shalt  }
tec
execute0_lowered:
.L_overlay_start_1:
0x0: {  	(tag) =	ssettag $0x1  }
0x1: {  	s5 =	rddreg [dreg:$0x0]  }
0x2: {  	s7 =	rddreg [dreg:$0x1]  }
0x3: {  	s1 =	rddreg [dreg:$0x2]  }
0x4: {  	s2 =	srdreg.scid;
	s0 =	rddreg [dreg:$0x3]  }
0x5: {  	s3 =	simm.s32 $0x0;
	s13 =	simm.s32 $0x2780;
	s14 =	simm.s32 $0x1  }
0x6: {  	s17 =	simm.s32 $0x0;
	s4 =	sand.u32 $0x1, s2;
	s2 =	stileid.u32  }
0x7: {  	[smem:$0x7FF] =	sst s3;
	s6 =	sshll.u32 s4, $0x4;
	s12 =	smul.u32 $0x280, s2  }
0x8: {  	_ =	strace $0x80000047;
	s8 =	ssub.s32 $0x2, s4;
	s29 =	smul.u32 $0x2800, s4  }
0x9: {  	s4 =	simm.s32 $0x4F;
	s15 =	sshll.u32 s2, $0x6;
	s6 =	sor.u32 s2, s6  }
0xa: {  	s10 =	sshrl.u32 s8, $0x1;
	s15 =	sor.u32 $0x1C02, s15;
	s9 =	smul.u32 $0x4E, s6  }
0xb: {  	s11 =	smax.u32 s6, $0x1C;
	s8 =	ssub.s32 s8, s10;
	p0 =	sgt.u32 s6, $0x1B  }
0xc: {  	s31 =	sadd.s32 s12, s29;
	s10 =	simm.s32 $0x2;
	s9 =	sadd.s32 s9, s11  }
0xd: {  	s4 =	simm.s32 @!p0 $0x4E;
	s8 =	smax.u32 s8, $0x1;
	s9 =	sshll.u32 s9, $0x5  }
0xe: {  	s11 =	simm.s32 $0x80;
	s30 =	sadd.s32 s5, s9;
	s5 =	sadd.s32 s12, s1  }
0xf: {  	s9 =	sshrl.u32 s31, $0x3;
	s12 =	simm.s32 $0x100;
	s6 =	sadd.s32 $0xFFFFFC90, s30  }
0x10: {  	v0 =	vimm.f32 $1.000000000e+00;
	v1 =	vimm.f32 $0.0e+00;
	s7 =	sadd.s32 s7, s9;
	s9 =	simm.s32 $0x2800;
	s16 =	sshrl.u32 s5, $0x3  }
.LBB2_1:
0x11: {  	[tilespmem:$0x2780] =	vst v0  }
0x12: {  	[tilespmem:$0x2790] =	vst v0  }
0x13: {  	[tilespmem:$0x27A0] =	vst v0  }
0x14: {  	[tilespmem:$0x27B0] =	vst v0  }
0x15: {  	[tilespmem:$0x27C0] =	vst v0  }
0x16: {  	[tilespmem:$0x27D0] =	vst v0  }
0x17: {  	[tilespmem:$0x27E0] =	vst v0  }
0x18: {  	[tilespmem:$0x27F0] =	vst v0  }
0x19: {  	[tilespmem:$0x2800] =	vst v1  }
0x1a: {  	[tilespmem:$0x2810] =	vst v1  }
0x1b: {  	[tilespmem:$0x2820] =	vst v1  }
0x1c: {  	[tilespmem:$0x2830] =	vst v1  }
0x1d: {  	[tilespmem:$0x2840] =	vst v1  }
0x1e: {  	[tilespmem:$0x2850] =	vst v1  }
0x1f: {  	[tilespmem:$0x2860] =	vst v1  }
0x20: {  	[tilespmem:$0x2870] =	vst v1  }
0x21: {  	[tilespmem:$0x2880] =	vst v1  }
0x22: {  	[tilespmem:$0x2890] =	vst v1  }
0x23: {  	[tilespmem:$0x28A0] =	vst v1  }
0x24: {  	[tilespmem:$0x28B0] =	vst v1  }
0x25: {  	[tilespmem:$0x28C0] =	vst v1  }
0x26: {  	[tilespmem:$0x28D0] =	vst v1  }
0x27: {  	[tilespmem:$0x28E0] =	vst v1  }
0x28: {  	[tilespmem:$0x28F0] =	vst v1  }
0x29: {  	[tilespmem:$0x2900] =	vst v1  }
0x2a: {  	[tilespmem:$0x2910] =	vst v1  }
0x2b: {  	[tilespmem:$0x2920] =	vst v1  }
0x2c: {  	[tilespmem:$0x2930] =	vst v1  }
0x2d: {  	[tilespmem:$0x2940] =	vst v1  }
0x2e: {  	[tilespmem:$0x2950] =	vst v1  }
0x2f: {  	[tilespmem:$0x2960] =	vst v1  }
0x30: {  	[tilespmem:$0x2970] =	vst v1  }
0x31: {  	[tilespmem:$0x2980] =	vst v1  }
0x32: {  	[tilespmem:$0x2990] =	vst v1  }
0x33: {  	[tilespmem:$0x29A0] =	vst v1  }
0x34: {  	[tilespmem:$0x29B0] =	vst v1  }
0x35: {  	[tilespmem:$0x29C0] =	vst v1  }
0x36: {  	[tilespmem:$0x29D0] =	vst v1  }
0x37: {  	[tilespmem:$0x29E0] =	vst v1  }
0x38: {  	[tilespmem:$0x29F0] =	vst v1  }
0x39: {  	[tilespmem:$0x2A00] =	vst v1  }
0x3a: {  	[tilespmem:$0x2A10] =	vst v1  }
0x3b: {  	[tilespmem:$0x2A20] =	vst v1  }
0x3c: {  	[tilespmem:$0x2A30] =	vst v1  }
0x3d: {  	[tilespmem:$0x2A40] =	vst v1  }
0x3e: {  	[tilespmem:$0x2A50] =	vst v1  }
0x3f: {  	[tilespmem:$0x2A60] =	vst v1  }
0x40: {  	[tilespmem:$0x2A70] =	vst v1  }
0x41: {  	[spmem:s5] =	stream.linear.scatter [tilespmem:s9], [sflag:$0x2], $0x280, $0x38;
	[tilespmem:$0x2D00] =	vst v63  }
0x42: {  	_ =	swait.ge [sflag:s10], $0x280  }
0x43: {  	[sflag:s10] =	ssyncset.done $0x0  }
0x44: {  	p0 =	sne.s32 s4, $0x1;
	[sflag:s10] =	ssyncadd.s32 $0xFFFFFD80  }
0x45: {  	[tilespmem:s3], [sflag:$0x2] =	stream.strided.gather [hbm4b:s6+s11], $0x2780, s12, s11, $0x38;
	[tilespmem:$0x2D00] =	vst v63  }
.Ltmp0:
0x46: {  	_ =	swait.ge [sflag:s10], $0x2780;
	(pc) =	sbr.rel @!p0 .LBB2_3-.Ltmp0, $4  }
0x47: {  	[sflag:s10] =	ssyncset.done $0x0  }
0x48: {  	[sflag:s10] =	ssyncadd.s32 $0xFFFFD880  }
0x49: {  	s18 =	sadd.s32 $0xFFFFFFFF, s4;
	s19 =	simm.s32 $0x0;
	[bflag:$0x0] =	sbarrier.arrive $0xFFFF  }
0x4a: {  	[spmem:s1] =	stream.indirect.scatter.add.f32 [tilespmem:s13], [sflag:$0x1], $0x1, s3, s11, $0xb8;
	[tilespmem:$0x2D00] =	vst v63  }
.LBB2_2:
0x4b: {  	p1 =	sne.s32 s18, $0x1  }
.Ltmp1:
0x4c: {  	_ = 	snop;
	(pc) =	sbr.rel @p1 .LBB2_2-.Ltmp1, $3  }
0x4d: {  	_ = 	snop  }
0x4e: {  	s18 =	sadd.s32 $0xFFFFFFFF, s18;
	s19 =	sadd.s32 $0x80, s19;
	_ =	sdelay $0x1  }
0x4f: {  	[spmem:s1] =	stream.indirect.scatter.add.f32 [tilespmem:s13], [sflag:$0x1], $0x1, s19, s11, $0xb8;
	[tilespmem:$0x2D00] =	vst v63  }
.LBB2_3:
.Ltmp2:
0x50: {  	(pc) =	sbr.rel @!p0 .LBB2_5-.Ltmp2, $3  }
0x51: {  	_ =	sdelay $0x1  }
0x52: {  	_ =	swait.ge [sflag:s14], $0x80  }
0x53: {  	s18 =	sadd.s32 $0xFFFFFFFF, s4;
	[sflag:s14] =	ssyncset.done $0x0  }
.LBB2_4:
0x54: {  	p0 =	sne.s32 s18, $0x1;
	s18 =	sadd.s32 $0xFFFFFFFF, s18;
	[sflag:s14] =	ssyncadd.s32 $0xFFFFFF80  }
.Ltmp3:
0x55: {  	(pc) =	sbr.rel @p0 .LBB2_4-.Ltmp3, $3  }
0x56: {  	_ =	sdelay $0x1  }
0x57: {  	_ =	swait.ge [sflag:s14], $0x80  }
0x58: {  	[sflag:s14] =	ssyncset.done $0x0  }
.LBB2_5:
0x59: {  	s17 =	sadd.s32 $0x1, s17  }
0x5a: {  	[sflag:s14] =	ssyncadd.s32 $0xFFFFFF80;
	p0 =	sne.s32 s17, s8  }
.Ltmp4:
0x5b: {  	[bflag:$0x0] =	sbarrier.arrive $0xFFFF;
	(pc) =	sbr.rel @p0 .LBB2_1-.Ltmp4, $4  }
0x5c: {  	[hbm:s7], [sflag:s15] =	dma.local [spmem:s16], $0x50  }
0x5d: {  	_ =	swait.ge [sflag:s10], $0x50  }
0x5e: {  	[sflag:s10] =	ssyncset.done $0x0  }
0x5f: {  	[sflag:s10] =	ssyncadd.s32 $0xFFFFFFB0  }
0x60: {  	_ =	sfence.sel $0x180000  }
0x61: {  	[bflag:$0x0] =	sbarrier.arrive $0xFFFF  }
0x62: {  	p0 =	sne.s32 s2, $0x0;
	_ =	strace $0x90000047  }
0x63: {  	s0 =	sadd.s32 @!p0 $0x100000, s0;
	[bflag:$0x2] =	sbarrier.arrive $0xFFFF  }
0x64: {  	[sflag:s0] =	ssyncadd.tile.s32 @!p0 $0x1;
	_ =	shalt  }
.Lfunc_end2:
_tile_overlayer_lowered:
.L_overlay_start_2:
0x65: {  	(tag) =	ssettag $0x2  }
0x66: {  	s0 =	rddreg [dreg:$0x0];
	s2 =	stileid.u32  }
0x67: {  	s1 =	rddreg [dreg:$0x1];
	p0 =	sne.s32 s2, $0x0  }
0x68: {  	s3 =	rddreg [dreg:$0x2];
	[bflag:$0x3] =	sbarrier.arrive $0xFFFF;
	s2 =	simm.s32 @!p0 $0x1C02  }
0x69: {  	[timem:s3], [sflag:s2] =	dma.local @!p0 [hbm:s0], s1  }
0x6a: {  	s0 =	simm.s32 @!p0 $0x2  }
0x6b: {  	_ =	swait.ge @!p0 [sflag:s0], s1  }
0x6c: {  	s1 =	ssub.s32 @!p0 $0x0, s1;
	[sflag:s0] =	ssyncset.done @!p0 $0x0  }
0x6d: {  	[sflag:s0] =	ssyncadd.s32 @!p0 s1  }
0x6e: {  	[bflag:$0x3] =	sbarrier.arrive $0xFFFF  }
0x6f: {  	_ =	shalt  }

</sc_bundles>
